<compile_context>
chip_gen: v7x
topology: tpu7x:2x2x1
jax: 0.10.2.dev20260603
libtpu: 0.0.44.dev20260713+nightly
codegen_flags: <defaults>
</compile_context>

<pallas_src>
import functools

import jax
import jax.numpy as jnp
from jax import lax
from jax.experimental import pallas as pl
from jax.experimental.pallas import tpu as pltpu
from jax.experimental.pallas import tpu_sc as plsc

SEQ_LEN = 2048
BT_SIZE = 4
D_MODEL = 4096
ROWS = SEQ_LEN * BT_SIZE

NC = 2
NS = 16
NW = NC * NS
RPW = ROWS // NW
C = 8
NCHUNK = RPW // C
L = 16


def _sc_body(x_hbm, p_hbm, o_hbm, pos_v, bufs, in_sems, out_sems):
    wid = lax.axis_index("s") * NC + lax.axis_index("c")
    base = wid * RPW
    pstart = lax.rem(base, SEQ_LEN)
    pltpu.sync_copy(p_hbm.at[pl.ds(pstart, RPW)], pos_v.at[pl.ds(0, RPW)])

    row_idx = lax.iota(jnp.int32, L)
    col_idx = jnp.full((L,), D_MODEL, jnp.int32)
    col_mask = row_idx < C

    def start_in(k, s):
        pltpu.make_async_copy(
            x_hbm.at[pl.ds(base + k * C, C), :],
            bufs.at[s, :, pl.ds(0, D_MODEL)],
            in_sems.at[s],
        ).start()

    def wait_in(k, s):
        pltpu.make_async_copy(
            x_hbm.at[pl.ds(base + k * C, C), :],
            bufs.at[s, :, pl.ds(0, D_MODEL)],
            in_sems.at[s],
        ).wait()

    def put_col(k, s):
        vals = pos_v[pl.ds(k * C, L)]
        plsc.store_scatter(bufs.at[s], [row_idx, col_idx], vals, mask=col_mask)

    def out_copy(k, s):
        return pltpu.make_async_copy(
            bufs.at[s],
            o_hbm.at[pl.ds(base + k * C, C), :],
            out_sems.at[s],
        )

    start_in(0, 0)
    start_in(1, 1)

    def step(g, carry):
        k0 = 2 * g
        put_col(k0, 0)
        wait_in(k0, 0)
        out_copy(k0, 0).start()
        put_col(k0 + 1, 1)
        wait_in(k0 + 1, 1)
        out_copy(k0 + 1, 1).start()
        out_copy(k0, 0).wait()
        start_in(k0 + 2, 0)
        out_copy(k0 + 1, 1).wait()
        start_in(k0 + 3, 1)
        return carry

    lax.fori_loop(0, NCHUNK // 2 - 1, step, 0)

    kl = NCHUNK - 2
    put_col(kl, 0)
    wait_in(kl, 0)
    out_copy(kl, 0).start()
    put_col(kl + 1, 1)
    wait_in(kl + 1, 1)
    out_copy(kl + 1, 1).start()
    out_copy(kl, 0).wait()
    out_copy(kl + 1, 1).wait()


def kernel(inputs, pos_table):
    x = inputs.reshape(ROWS, D_MODEL)
    p = pos_table.reshape(SEQ_LEN)
    mesh = plsc.VectorSubcoreMesh(core_axis_name="c", subcore_axis_name="s")
    sc_copy = functools.partial(
        pl.kernel,
        mesh=mesh,
        out_type=jax.ShapeDtypeStruct((ROWS, D_MODEL + 1), jnp.float32),
        scratch_types=[
            pltpu.VMEM((RPW + L,), jnp.float32),
            pltpu.VMEM((2, C, D_MODEL + 1), jnp.float32),
            pltpu.SemaphoreType.DMA((2,)),
            pltpu.SemaphoreType.DMA((2,)),
        ],
        compiler_params=pltpu.CompilerParams(needs_layout_passes=False),
    )(_sc_body)
    out = sc_copy(x, p)
    return out.reshape(BT_SIZE, SEQ_LEN, D_MODEL + 1)

# --- scband reference (transcript-rebuilt; emitter-appended) ---
"""Pipeline reference for scband-positional-embedding-19868518711614 (READ-ONLY COPY).

The authoritative reference and input builder live on the scoring server;
editing this copy changes nothing except your own understanding.
"""

import jax, jax.numpy as jnp
import numpy as np

SEQ_LEN = 2048
BT_SIZE = 4
D_MODEL = 4096

def setup_inputs(seed: int = 0) -> dict:
    key = jax.random.key(seed)
    k1, k2 = jax.random.split(key)
    inputs = jax.random.normal(k1, (BT_SIZE, SEQ_LEN, D_MODEL), dtype=jnp.float32)
    # nn.Embedding(seq_length, 1) with uniform_(-0.1, 0.1) init
    pos_table = jax.random.uniform(k2, (SEQ_LEN, 1), dtype=jnp.float32, minval=-0.1, maxval=0.1)
    return {"inputs": inputs, "pos_table": pos_table}

def reference(inputs, pos_table):
    # lookup = stack([arange(seq_length)] * bt_size) -> [bt_size, seq_length]
    lookup = jnp.broadcast_to(jnp.arange(SEQ_LEN, dtype=jnp.int64), (BT_SIZE, SEQ_LEN))
    # embedding gather: [bt_size, seq_length, 1]
    p_embed = jnp.take(pos_table, lookup, axis=0)
    # concat along feature axis -> [bt_size, seq_length, d_model + 1]
    return jnp.concatenate((inputs, p_embed), axis=2)

if __name__ == "__main__":
    import jax
    _d = setup_inputs()
    print(jax.jit(kernel)(*tuple(_d.values())))

</pallas_src>

<mosaic_0001>
#map = affine_map<(d0, d1) -> (0, 0)>
#map1 = affine_map<(d0, d1) -> (0)>
module attributes {stable_mosaic.version = 14 : i64} {
  func.func @_sc_body(%arg0: i32, %arg1: i32, %arg2: memref<8192x4096xf32, #tpu.memory_space<hbm>>, %arg3: memref<2048xf32, #tpu.memory_space<hbm>>, %arg4: memref<8192x4097xf32, #tpu.memory_space<hbm>>, %arg5: memref<272xf32, #tpu.memory_space<vmem>>, %arg6: memref<2x8x4097xf32, #tpu.memory_space<vmem>>, %arg7: memref<2x!tpu.dma_semaphore, #tpu.memory_space<semaphore_mem>>, %arg8: memref<2x!tpu.dma_semaphore, #tpu.memory_space<semaphore_mem>>) attributes {dimension_semantics = [#tpu.dimension_semantics<core_parallel>, #tpu.dimension_semantics<subcore_parallel>], iteration_bounds = array<i64: 2, 16>, scalar_prefetch = 0 : i64, scratch_operands = 4 : i64, tpu.core_type = #tpu.core_type<sc_vector_subcore>, window_params = [{transform_indices = #map}, {transform_indices = #map1}, {transform_indices = #map}]} {
    %mul3A = arith.constant 2 : i32
    %mul3A_0 = arith.muli %arg1, %mul3A : i32
    %add3A = arith.addi %mul3A_0, %arg0 : i32
    %mul3A_1 = arith.constant 256 : i32
    %mul3A_2 = arith.muli %add3A, %mul3A_1 : i32
    %rem3A = arith.constant 2048 : i32
    %rem3A_3 = arith.remsi %mul3A_2, %rem3A : i32
    "tpu.region"() ({
      %run_scoped3A = tpu.sem_alloc : memref<!tpu.dma_semaphore, #tpu.memory_space<semaphore_mem>>
      %dma_start3A_166 = arith.constant 0 : i32
      %dma_start3A_167 = tpu.memref_slice %arg5[%dma_start3A_166] : memref<272xf32, #tpu.memory_space<vmem>> -> memref<256xf32, #tpu.memory_space<vmem>>
      %dma_start3A_168 = tpu.memref_slice %arg3[%rem3A_3] : memref<2048xf32, #tpu.memory_space<hbm>> -> memref<256xf32, #tpu.memory_space<hbm>>
      %dma_start3A_169 = arith.constant 0 : i32
      %dma_start3A_170 = tpu.memref_slice %arg5[%dma_start3A_169] : memref<272xf32, #tpu.memory_space<vmem>> -> memref<256xf32, #tpu.memory_space<vmem>>
      %dma_start3A_171 = tpu.memref_slice %arg3[%rem3A_3] : memref<2048xf32, #tpu.memory_space<hbm>> -> memref<256xf32, #tpu.memory_space<hbm>>
      tpu.enqueue_dma source(%dma_start3A_171 : memref<256xf32, #tpu.memory_space<hbm>>) target(%dma_start3A_170 : memref<256xf32, #tpu.memory_space<vmem>>) target_semaphore(%run_scoped3A : memref<!tpu.dma_semaphore, #tpu.memory_space<semaphore_mem>>)
      %dma_wait3A_172 = arith.constant 0 : i32
      %dma_wait3A_173 = tpu.memref_slice %arg5[%dma_wait3A_172] : memref<272xf32, #tpu.memory_space<vmem>> -> memref<256xf32, #tpu.memory_space<vmem>>
      %dma_wait3A_174 = tpu.memref_slice %arg3[%rem3A_3] : memref<2048xf32, #tpu.memory_space<hbm>> -> memref<256xf32, #tpu.memory_space<hbm>>
      %dma_wait3A_175 = arith.constant 0 : i32
      %dma_wait3A_176 = tpu.memref_slice %arg5[%dma_wait3A_175] : memref<272xf32, #tpu.memory_space<vmem>> -> memref<256xf32, #tpu.memory_space<vmem>>
      %dma_wait3A_177 = tpu.memref_slice %arg3[%rem3A_3] : memref<2048xf32, #tpu.memory_space<hbm>> -> memref<256xf32, #tpu.memory_space<hbm>>
      tpu.wait_dma2 semaphore(%run_scoped3A : memref<!tpu.dma_semaphore, #tpu.memory_space<semaphore_mem>>) src(%dma_wait3A_177 : memref<256xf32, #tpu.memory_space<hbm>>) dst(%dma_wait3A_176 : memref<256xf32, #tpu.memory_space<vmem>>)
      tpu.yield
    }) : () -> ()
    %iota3A = tpu.iota {dimensions = array<i32: 0>} : vector<16xi32>
    %broadcast_in_dim3A = arith.constant 4096 : i32
    %broadcast_in_dim3A_4 = vector.broadcast %broadcast_in_dim3A : i32 to vector<16xi32>
    %lt3A = arith.constant 8 : i32
    %lt3A_5 = vector.broadcast %lt3A : i32 to vector<16xi32>
    %lt3A_6 = arith.cmpi slt, %iota3A, %lt3A_5 : vector<16xi32>
    %add3A_7 = arith.constant 0 : i32
    %add3A_8 = arith.addi %mul3A_2, %add3A_7 : i32
    %dma_start3A = arith.constant 0 : i32
    %dma_start3A_9 = arith.constant 0 : i32
    %dma_start3A_10 = arith.constant 0 : i32
    %dma_start3A_11 = arith.constant 0 : i32
    %dma_start3A_12 = tpu.memref_slice %arg6[%dma_start3A, %dma_start3A_10, %dma_start3A_11] : memref<2x8x4097xf32, #tpu.memory_space<vmem>> -> memref<1x8x4096xf32, #tpu.memory_space<vmem>>
    %dma_start3A_13 = tpu.memref_squeeze %dma_start3A_12 : memref<1x8x4096xf32, #tpu.memory_space<vmem>> -> memref<8x4096xf32, #tpu.memory_space<vmem>>
    %dma_start3A_14 = arith.constant 0 : i32
    %dma_start3A_15 = tpu.memref_slice %arg2[%add3A_8, %dma_start3A_14] : memref<8192x4096xf32, #tpu.memory_space<hbm>> -> memref<8x4096xf32, #tpu.memory_space<hbm>>
    %dma_start3A_16 = tpu.memref_slice %arg7[%dma_start3A_9] : memref<2x!tpu.dma_semaphore, #tpu.memory_space<semaphore_mem>> -> memref<1x!tpu.dma_semaphore, #tpu.memory_space<semaphore_mem>>
    %dma_start3A_17 = tpu.memref_squeeze %dma_start3A_16 : memref<1x!tpu.dma_semaphore, #tpu.memory_space<semaphore_mem>> -> memref<!tpu.dma_semaphore, #tpu.memory_space<semaphore_mem>>
    %dma_start3A_18 = arith.constant 0 : i32
    %dma_start3A_19 = arith.constant 0 : i32
    %dma_start3A_20 = tpu.memref_slice %arg6[%dma_start3A, %dma_start3A_18, %dma_start3A_19] : memref<2x8x4097xf32, #tpu.memory_space<vmem>> -> memref<1x8x4096xf32, #tpu.memory_space<vmem>>
    %dma_start3A_21 = tpu.memref_squeeze %dma_start3A_20 : memref<1x8x4096xf32, #tpu.memory_space<vmem>> -> memref<8x4096xf32, #tpu.memory_space<vmem>>
    %dma_start3A_22 = arith.constant 0 : i32
    %dma_start3A_23 = tpu.memref_slice %arg2[%add3A_8, %dma_start3A_22] : memref<8192x4096xf32, #tpu.memory_space<hbm>> -> memref<8x4096xf32, #tpu.memory_space<hbm>>
    tpu.enqueue_dma source(%dma_start3A_23 : memref<8x4096xf32, #tpu.memory_space<hbm>>) target(%dma_start3A_21 : memref<8x4096xf32, #tpu.memory_space<vmem>>) target_semaphore(%dma_start3A_17 : memref<!tpu.dma_semaphore, #tpu.memory_space<semaphore_mem>>)
    %add3A_24 = arith.constant 8 : i32
    %add3A_25 = arith.addi %mul3A_2, %add3A_24 : i32
    %dma_start3A_26 = arith.constant 1 : i32
    %dma_start3A_27 = arith.constant 1 : i32
    %dma_start3A_28 = arith.constant 0 : i32
    %dma_start3A_29 = arith.constant 0 : i32
    %dma_start3A_30 = tpu.memref_slice %arg6[%dma_start3A_26, %dma_start3A_28, %dma_start3A_29] : memref<2x8x4097xf32, #tpu.memory_space<vmem>> -> memref<1x8x4096xf32, #tpu.memory_space<vmem>>
    %dma_start3A_31 = tpu.memref_squeeze %dma_start3A_30 : memref<1x8x4096xf32, #tpu.memory_space<vmem>> -> memref<8x4096xf32, #tpu.memory_space<vmem>>
    %dma_start3A_32 = arith.constant 0 : i32
    %dma_start3A_33 = tpu.memref_slice %arg2[%add3A_25, %dma_start3A_32] : memref<8192x4096xf32, #tpu.memory_space<hbm>> -> memref<8x4096xf32, #tpu.memory_space<hbm>>
    %dma_start3A_34 = tpu.memref_slice %arg7[%dma_start3A_27] : memref<2x!tpu.dma_semaphore, #tpu.memory_space<semaphore_mem>> -> memref<1x!tpu.dma_semaphore, #tpu.memory_space<semaphore_mem>>
    %dma_start3A_35 = tpu.memref_squeeze %dma_start3A_34 : memref<1x!tpu.dma_semaphore, #tpu.memory_space<semaphore_mem>> -> memref<!tpu.dma_semaphore, #tpu.memory_space<semaphore_mem>>
    %dma_start3A_36 = arith.constant 0 : i32
    %dma_start3A_37 = arith.constant 0 : i32
    %dma_start3A_38 = tpu.memref_slice %arg6[%dma_start3A_26, %dma_start3A_36, %dma_start3A_37] : memref<2x8x4097xf32, #tpu.memory_space<vmem>> -> memref<1x8x4096xf32, #tpu.memory_space<vmem>>
    %dma_start3A_39 = tpu.memref_squeeze %dma_start3A_38 : memref<1x8x4096xf32, #tpu.memory_space<vmem>> -> memref<8x4096xf32, #tpu.memory_space<vmem>>
    %dma_start3A_40 = arith.constant 0 : i32
    %dma_start3A_41 = tpu.memref_slice %arg2[%add3A_25, %dma_start3A_40] : memref<8192x4096xf32, #tpu.memory_space<hbm>> -> memref<8x4096xf32, #tpu.memory_space<hbm>>
    tpu.enqueue_dma source(%dma_start3A_41 : memref<8x4096xf32, #tpu.memory_space<hbm>>) target(%dma_start3A_39 : memref<8x4096xf32, #tpu.memory_space<vmem>>) target_semaphore(%dma_start3A_35 : memref<!tpu.dma_semaphore, #tpu.memory_space<semaphore_mem>>)
    %scan3A = arith.constant 0 : i32
    %scan3A_42 = arith.constant 0 : i32
    %scan3A_43 = arith.constant 15 : i32
    %scan3A_44 = arith.addi %scan3A_42, %scan3A_43 : i32
    %scan3A_45 = arith.constant 1 : i32
    scf.for %scan3A_166 = %scan3A_42 to %scan3A_44 step %scan3A_45  : i32 {
      %mul3A_167 = arith.constant 2 : i32
      %mul3A_168 = arith.muli %mul3A_167, %scan3A_166 : i32
      %mul3A_169 = arith.constant 8 : i32
      %mul3A_170 = arith.muli %mul3A_168, %mul3A_169 : i32
      %get3A_171 = arith.index_cast %mul3A_170 : i32 to index
      %get3A_172 = tpu.vector_load %arg5[%get3A_171] {strides = array<i32>} : memref<272xf32, #tpu.memory_space<vmem>>, vector<16xf32>,
      %scatter3A_173 = arith.constant 0 : i32
      %scatter3A_174 = arith.constant 0 : i32
      %scatter3A_175 = arith.constant 0 : i32
      %scatter3A_176 = tpu.memref_slice %arg6[%scatter3A_173, %scatter3A_174, %scatter3A_175] : memref<2x8x4097xf32, #tpu.memory_space<vmem>> -> memref<1x8x4097xf32, #tpu.memory_space<vmem>>
      %scatter3A_177 = tpu.memref_squeeze %scatter3A_176 : memref<1x8x4097xf32, #tpu.memory_space<vmem>> -> memref<8x4097xf32, #tpu.memory_space<vmem>>
      tpu.vector_store_idx %scatter3A_177[%iota3A, %broadcast_in_dim3A_4], %get3A_172 masked %lt3A_6 : memref<8x4097xf32, #tpu.memory_space<vmem>>[vector<16xi32>, vector<16xi32>], vector<16xf32>, vector<16xi1>
      %mul3A_178 = arith.constant 8 : i32
      %mul3A_179 = arith.muli %mul3A_168, %mul3A_178 : i32
      %add3A_180 = arith.addi %mul3A_2, %mul3A_179 : i32
      %dma_wait3A_181 = arith.constant 0 : i32
      %dma_wait3A_182 = arith.constant 0 : i32
      %dma_wait3A_183 = arith.constant 0 : i32
      %dma_wait3A_184 = arith.constant 0 : i32
      %dma_wait3A_185 = tpu.memref_slice %arg6[%dma_wait3A_181, %dma_wait3A_183, %dma_wait3A_184] : memref<2x8x4097xf32, #tpu.memory_space<vmem>> -> memref<1x8x4096xf32, #tpu.memory_space<vmem>>
      %dma_wait3A_186 = tpu.memref_squeeze %dma_wait3A_185 : memref<1x8x4096xf32, #tpu.memory_space<vmem>> -> memref<8x4096xf32, #tpu.memory_space<vmem>>
      %dma_wait3A_187 = arith.constant 0 : i32
      %dma_wait3A_188 = tpu.memref_slice %arg2[%add3A_180, %dma_wait3A_187] : memref<8192x4096xf32, #tpu.memory_space<hbm>> -> memref<8x4096xf32, #tpu.memory_space<hbm>>
      %dma_wait3A_189 = tpu.memref_slice %arg7[%dma_wait3A_182] : memref<2x!tpu.dma_semaphore, #tpu.memory_space<semaphore_mem>> -> memref<1x!tpu.dma_semaphore, #tpu.memory_space<semaphore_mem>>
      %dma_wait3A_190 = tpu.memref_squeeze %dma_wait3A_189 : memref<1x!tpu.dma_semaphore, #tpu.memory_space<semaphore_mem>> -> memref<!tpu.dma_semaphore, #tpu.memory_space<semaphore_mem>>
      %dma_wait3A_191 = arith.constant 0 : i32
      %dma_wait3A_192 = arith.constant 0 : i32
      %dma_wait3A_193 = tpu.memref_slice %arg6[%dma_wait3A_181, %dma_wait3A_191, %dma_wait3A_192] : memref<2x8x4097xf32, #tpu.memory_space<vmem>> -> memref<1x8x4096xf32, #tpu.memory_space<vmem>>
      %dma_wait3A_194 = tpu.memref_squeeze %dma_wait3A_193 : memref<1x8x4096xf32, #tpu.memory_space<vmem>> -> memref<8x4096xf32, #tpu.memory_space<vmem>>
      %dma_wait3A_195 = arith.constant 0 : i32
      %dma_wait3A_196 = tpu.memref_slice %arg2[%add3A_180, %dma_wait3A_195] : memref<8192x4096xf32, #tpu.memory_space<hbm>> -> memref<8x4096xf32, #tpu.memory_space<hbm>>
      tpu.wait_dma2 semaphore(%dma_wait3A_190 : memref<!tpu.dma_semaphore, #tpu.memory_space<semaphore_mem>>) src(%dma_wait3A_196 : memref<8x4096xf32, #tpu.memory_space<hbm>>) dst(%dma_wait3A_194 : memref<8x4096xf32, #tpu.memory_space<vmem>>)
      %mul3A_197 = arith.constant 8 : i32
      %mul3A_198 = arith.muli %mul3A_168, %mul3A_197 : i32
      %add3A_199 = arith.addi %mul3A_2, %mul3A_198 : i32
      %dma_start3A_200 = arith.constant 0 : i32
      %dma_start3A_201 = arith.constant 0 : i32
      %dma_start3A_202 = arith.constant 0 : i32
      %dma_start3A_203 = arith.constant 0 : i32
      %dma_start3A_204 = tpu.memref_slice %arg6[%dma_start3A_200, %dma_start3A_202, %dma_start3A_203] : memref<2x8x4097xf32, #tpu.memory_space<vmem>> -> memref<1x8x4097xf32, #tpu.memory_space<vmem>>
      %dma_start3A_205 = tpu.memref_squeeze %dma_start3A_204 : memref<1x8x4097xf32, #tpu.memory_space<vmem>> -> memref<8x4097xf32, #tpu.memory_space<vmem>>
      %dma_start3A_206 = arith.constant 0 : i32
      %dma_start3A_207 = tpu.memref_slice %arg4[%add3A_199, %dma_start3A_206] : memref<8192x4097xf32, #tpu.memory_space<hbm>> -> memref<8x4097xf32, #tpu.memory_space<hbm>>
      %dma_start3A_208 = tpu.memref_slice %arg8[%dma_start3A_201] : memref<2x!tpu.dma_semaphore, #tpu.memory_space<semaphore_mem>> -> memref<1x!tpu.dma_semaphore, #tpu.memory_space<semaphore_mem>>
      %dma_start3A_209 = tpu.memref_squeeze %dma_start3A_208 : memref<1x!tpu.dma_semaphore, #tpu.memory_space<semaphore_mem>> -> memref<!tpu.dma_semaphore, #tpu.memory_space<semaphore_mem>>
      %dma_start3A_210 = arith.constant 0 : i32
      %dma_start3A_211 = tpu.memref_slice %arg4[%add3A_199, %dma_start3A_210] : memref<8192x4097xf32, #tpu.memory_space<hbm>> -> memref<8x4097xf32, #tpu.memory_space<hbm>>
      %dma_start3A_212 = arith.constant 0 : i32
      %dma_start3A_213 = arith.constant 0 : i32
      %dma_start3A_214 = tpu.memref_slice %arg6[%dma_start3A_200, %dma_start3A_212, %dma_start3A_213] : memref<2x8x4097xf32, #tpu.memory_space<vmem>> -> memref<1x8x4097xf32, #tpu.memory_space<vmem>>
      %dma_start3A_215 = tpu.memref_squeeze %dma_start3A_214 : memref<1x8x4097xf32, #tpu.memory_space<vmem>> -> memref<8x4097xf32, #tpu.memory_space<vmem>>
      tpu.enqueue_dma source(%dma_start3A_215 : memref<8x4097xf32, #tpu.memory_space<vmem>>) target(%dma_start3A_211 : memref<8x4097xf32, #tpu.memory_space<hbm>>) target_semaphore(%dma_start3A_209 : memref<!tpu.dma_semaphore, #tpu.memory_space<semaphore_mem>>)
      %add3A_216 = arith.constant 1 : i32
      %add3A_217 = arith.addi %mul3A_168, %add3A_216 : i32
      %mul3A_218 = arith.constant 8 : i32
      %mul3A_219 = arith.muli %add3A_217, %mul3A_218 : i32
      %get3A_220 = arith.index_cast %mul3A_219 : i32 to index
      %get3A_221 = tpu.vector_load %arg5[%get3A_220] {strides = array<i32>} : memref<272xf32, #tpu.memory_space<vmem>>, vector<16xf32>,
      %scatter3A_222 = arith.constant 1 : i32
      %scatter3A_223 = arith.constant 0 : i32
      %scatter3A_224 = arith.constant 0 : i32
      %scatter3A_225 = tpu.memref_slice %arg6[%scatter3A_222, %scatter3A_223, %scatter3A_224] : memref<2x8x4097xf32, #tpu.memory_space<vmem>> -> memref<1x8x4097xf32, #tpu.memory_space<vmem>>
      %scatter3A_226 = tpu.memref_squeeze %scatter3A_225 : memref<1x8x4097xf32, #tpu.memory_space<vmem>> -> memref<8x4097xf32, #tpu.memory_space<vmem>>
      tpu.vector_store_idx %scatter3A_226[%iota3A, %broadcast_in_dim3A_4], %get3A_221 masked %lt3A_6 : memref<8x4097xf32, #tpu.memory_space<vmem>>[vector<16xi32>, vector<16xi32>], vector<16xf32>, vector<16xi1>
      %add3A_227 = arith.constant 1 : i32
      %add3A_228 = arith.addi %mul3A_168, %add3A_227 : i32
      %mul3A_229 = arith.constant 8 : i32
      %mul3A_230 = arith.muli %add3A_228, %mul3A_229 : i32
      %add3A_231 = arith.addi %mul3A_2, %mul3A_230 : i32
      %dma_wait3A_232 = arith.constant 1 : i32
      %dma_wait3A_233 = arith.constant 1 : i32
      %dma_wait3A_234 = arith.constant 0 : i32
      %dma_wait3A_235 = arith.constant 0 : i32
      %dma_wait3A_236 = tpu.memref_slice %arg6[%dma_wait3A_232, %dma_wait3A_234, %dma_wait3A_235] : memref<2x8x4097xf32, #tpu.memory_space<vmem>> -> memref<1x8x4096xf32, #tpu.memory_space<vmem>>
      %dma_wait3A_237 = tpu.memref_squeeze %dma_wait3A_236 : memref<1x8x4096xf32, #tpu.memory_space<vmem>> -> memref<8x4096xf32, #tpu.memory_space<vmem>>
      %dma_wait3A_238 = arith.constant 0 : i32
      %dma_wait3A_239 = tpu.memref_slice %arg2[%add3A_231, %dma_wait3A_238] : memref<8192x4096xf32, #tpu.memory_space<hbm>> -> memref<8x4096xf32, #tpu.memory_space<hbm>>
      %dma_wait3A_240 = tpu.memref_slice %arg7[%dma_wait3A_233] : memref<2x!tpu.dma_semaphore, #tpu.memory_space<semaphore_mem>> -> memref<1x!tpu.dma_semaphore, #tpu.memory_space<semaphore_mem>>
      %dma_wait3A_241 = tpu.memref_squeeze %dma_wait3A_240 : memref<1x!tpu.dma_semaphore, #tpu.memory_space<semaphore_mem>> -> memref<!tpu.dma_semaphore, #tpu.memory_space<semaphore_mem>>
      %dma_wait3A_242 = arith.constant 0 : i32
      %dma_wait3A_243 = arith.constant 0 : i32
      %dma_wait3A_244 = tpu.memref_slice %arg6[%dma_wait3A_232, %dma_wait3A_242, %dma_wait3A_243] : memref<2x8x4097xf32, #tpu.memory_space<vmem>> -> memref<1x8x4096xf32, #tpu.memory_space<vmem>>
      %dma_wait3A_245 = tpu.memref_squeeze %dma_wait3A_244 : memref<1x8x4096xf32, #tpu.memory_space<vmem>> -> memref<8x4096xf32, #tpu.memory_space<vmem>>
      %dma_wait3A_246 = arith.constant 0 : i32
      %dma_wait3A_247 = tpu.memref_slice %arg2[%add3A_231, %dma_wait3A_246] : memref<8192x4096xf32, #tpu.memory_space<hbm>> -> memref<8x4096xf32, #tpu.memory_space<hbm>>
      tpu.wait_dma2 semaphore(%dma_wait3A_241 : memref<!tpu.dma_semaphore, #tpu.memory_space<semaphore_mem>>) src(%dma_wait3A_247 : memref<8x4096xf32, #tpu.memory_space<hbm>>) dst(%dma_wait3A_245 : memref<8x4096xf32, #tpu.memory_space<vmem>>)
      %add3A_248 = arith.constant 1 : i32
      %add3A_249 = arith.addi %mul3A_168, %add3A_248 : i32
      %mul3A_250 = arith.constant 8 : i32
      %mul3A_251 = arith.muli %add3A_249, %mul3A_250 : i32
      %add3A_252 = arith.addi %mul3A_2, %mul3A_251 : i32
      %dma_start3A_253 = arith.constant 1 : i32
      %dma_start3A_254 = arith.constant 1 : i32
      %dma_start3A_255 = arith.constant 0 : i32
      %dma_start3A_256 = arith.constant 0 : i32
      %dma_start3A_257 = tpu.memref_slice %arg6[%dma_start3A_253, %dma_start3A_255, %dma_start3A_256] : memref<2x8x4097xf32, #tpu.memory_space<vmem>> -> memref<1x8x4097xf32, #tpu.memory_space<vmem>>
      %dma_start3A_258 = tpu.memref_squeeze %dma_start3A_257 : memref<1x8x4097xf32, #tpu.memory_space<vmem>> -> memref<8x4097xf32, #tpu.memory_space<vmem>>
      %dma_start3A_259 = arith.constant 0 : i32
      %dma_start3A_260 = tpu.memref_slice %arg4[%add3A_252, %dma_start3A_259] : memref<8192x4097xf32, #tpu.memory_space<hbm>> -> memref<8x4097xf32, #tpu.memory_space<hbm>>
      %dma_start3A_261 = tpu.memref_slice %arg8[%dma_start3A_254] : memref<2x!tpu.dma_semaphore, #tpu.memory_space<semaphore_mem>> -> memref<1x!tpu.dma_semaphore, #tpu.memory_space<semaphore_mem>>
      %dma_start3A_262 = tpu.memref_squeeze %dma_start3A_261 : memref<1x!tpu.dma_semaphore, #tpu.memory_space<semaphore_mem>> -> memref<!tpu.dma_semaphore, #tpu.memory_space<semaphore_mem>>
      %dma_start3A_263 = arith.constant 0 : i32
      %dma_start3A_264 = tpu.memref_slice %arg4[%add3A_252, %dma_start3A_263] : memref<8192x4097xf32, #tpu.memory_space<hbm>> -> memref<8x4097xf32, #tpu.memory_space<hbm>>
      %dma_start3A_265 = arith.constant 0 : i32
      %dma_start3A_266 = arith.constant 0 : i32
      %dma_start3A_267 = tpu.memref_slice %arg6[%dma_start3A_253, %dma_start3A_265, %dma_start3A_266] : memref<2x8x4097xf32, #tpu.memory_space<vmem>> -> memref<1x8x4097xf32, #tpu.memory_space<vmem>>
      %dma_start3A_268 = tpu.memref_squeeze %dma_start3A_267 : memref<1x8x4097xf32, #tpu.memory_space<vmem>> -> memref<8x4097xf32, #tpu.memory_space<vmem>>
      tpu.enqueue_dma source(%dma_start3A_268 : memref<8x4097xf32, #tpu.memory_space<vmem>>) target(%dma_start3A_264 : memref<8x4097xf32, #tpu.memory_space<hbm>>) target_semaphore(%dma_start3A_262 : memref<!tpu.dma_semaphore, #tpu.memory_space<semaphore_mem>>)
      %mul3A_269 = arith.constant 8 : i32
      %mul3A_270 = arith.muli %mul3A_168, %mul3A_269 : i32
      %add3A_271 = arith.addi %mul3A_2, %mul3A_270 : i32
      %dma_wait3A_272 = arith.constant 0 : i32
      %dma_wait3A_273 = arith.constant 0 : i32
      %dma_wait3A_274 = arith.constant 0 : i32
      %dma_wait3A_275 = arith.constant 0 : i32
      %dma_wait3A_276 = tpu.memref_slice %arg6[%dma_wait3A_272, %dma_wait3A_274, %dma_wait3A_275] : memref<2x8x4097xf32, #tpu.memory_space<vmem>> -> memref<1x8x4097xf32, #tpu.memory_space<vmem>>
      %dma_wait3A_277 = tpu.memref_squeeze %dma_wait3A_276 : memref<1x8x4097xf32, #tpu.memory_space<vmem>> -> memref<8x4097xf32, #tpu.memory_space<vmem>>
      %dma_wait3A_278 = arith.constant 0 : i32
      %dma_wait3A_279 = tpu.memref_slice %arg4[%add3A_271, %dma_wait3A_278] : memref<8192x4097xf32, #tpu.memory_space<hbm>> -> memref<8x4097xf32, #tpu.memory_space<hbm>>
      %dma_wait3A_280 = tpu.memref_slice %arg8[%dma_wait3A_273] : memref<2x!tpu.dma_semaphore, #tpu.memory_space<semaphore_mem>> -> memref<1x!tpu.dma_semaphore, #tpu.memory_space<semaphore_mem>>
      %dma_wait3A_281 = tpu.memref_squeeze %dma_wait3A_280 : memref<1x!tpu.dma_semaphore, #tpu.memory_space<semaphore_mem>> -> memref<!tpu.dma_semaphore, #tpu.memory_space<semaphore_mem>>
      %dma_wait3A_282 = arith.constant 0 : i32
      %dma_wait3A_283 = tpu.memref_slice %arg4[%add3A_271, %dma_wait3A_282] : memref<8192x4097xf32, #tpu.memory_space<hbm>> -> memref<8x4097xf32, #tpu.memory_space<hbm>>
      %dma_wait3A_284 = arith.constant 0 : i32
      %dma_wait3A_285 = arith.constant 0 : i32
      %dma_wait3A_286 = tpu.memref_slice %arg6[%dma_wait3A_272, %dma_wait3A_284, %dma_wait3A_285] : memref<2x8x4097xf32, #tpu.memory_space<vmem>> -> memref<1x8x4097xf32, #tpu.memory_space<vmem>>
      %dma_wait3A_287 = tpu.memref_squeeze %dma_wait3A_286 : memref<1x8x4097xf32, #tpu.memory_space<vmem>> -> memref<8x4097xf32, #tpu.memory_space<vmem>>
      tpu.wait_dma2 semaphore(%dma_wait3A_281 : memref<!tpu.dma_semaphore, #tpu.memory_space<semaphore_mem>>) src(%dma_wait3A_287 : memref<8x4097xf32, #tpu.memory_space<vmem>>) dst(%dma_wait3A_283 : memref<8x4097xf32, #tpu.memory_space<hbm>>)
      %add3A_288 = arith.constant 2 : i32
      %add3A_289 = arith.addi %mul3A_168, %add3A_288 : i32
      %mul3A_290 = arith.constant 8 : i32
      %mul3A_291 = arith.muli %add3A_289, %mul3A_290 : i32
      %add3A_292 = arith.addi %mul3A_2, %mul3A_291 : i32
      %dma_start3A_293 = arith.constant 0 : i32
      %dma_start3A_294 = arith.constant 0 : i32
      %dma_start3A_295 = arith.constant 0 : i32
      %dma_start3A_296 = arith.constant 0 : i32
      %dma_start3A_297 = tpu.memref_slice %arg6[%dma_start3A_293, %dma_start3A_295, %dma_start3A_296] : memref<2x8x4097xf32, #tpu.memory_space<vmem>> -> memref<1x8x4096xf32, #tpu.memory_space<vmem>>
      %dma_start3A_298 = tpu.memref_squeeze %dma_start3A_297 : memref<1x8x4096xf32, #tpu.memory_space<vmem>> -> memref<8x4096xf32, #tpu.memory_space<vmem>>
      %dma_start3A_299 = arith.constant 0 : i32
      %dma_start3A_300 = tpu.memref_slice %arg2[%add3A_292, %dma_start3A_299] : memref<8192x4096xf32, #tpu.memory_space<hbm>> -> memref<8x4096xf32, #tpu.memory_space<hbm>>
      %dma_start3A_301 = tpu.memref_slice %arg7[%dma_start3A_294] : memref<2x!tpu.dma_semaphore, #tpu.memory_space<semaphore_mem>> -> memref<1x!tpu.dma_semaphore, #tpu.memory_space<semaphore_mem>>
      %dma_start3A_302 = tpu.memref_squeeze %dma_start3A_301 : memref<1x!tpu.dma_semaphore, #tpu.memory_space<semaphore_mem>> -> memref<!tpu.dma_semaphore, #tpu.memory_space<semaphore_mem>>
      %dma_start3A_303 = arith.constant 0 : i32
      %dma_start3A_304 = arith.constant 0 : i32
      %dma_start3A_305 = tpu.memref_slice %arg6[%dma_start3A_293, %dma_start3A_303, %dma_start3A_304] : memref<2x8x4097xf32, #tpu.memory_space<vmem>> -> memref<1x8x4096xf32, #tpu.memory_space<vmem>>
      %dma_start3A_306 = tpu.memref_squeeze %dma_start3A_305 : memref<1x8x4096xf32, #tpu.memory_space<vmem>> -> memref<8x4096xf32, #tpu.memory_space<vmem>>
      %dma_start3A_307 = arith.constant 0 : i32
      %dma_start3A_308 = tpu.memref_slice %arg2[%add3A_292, %dma_start3A_307] : memref<8192x4096xf32, #tpu.memory_space<hbm>> -> memref<8x4096xf32, #tpu.memory_space<hbm>>
      tpu.enqueue_dma source(%dma_start3A_308 : memref<8x4096xf32, #tpu.memory_space<hbm>>) target(%dma_start3A_306 : memref<8x4096xf32, #tpu.memory_space<vmem>>) target_semaphore(%dma_start3A_302 : memref<!tpu.dma_semaphore, #tpu.memory_space<semaphore_mem>>)
      %add3A_309 = arith.constant 1 : i32
      %add3A_310 = arith.addi %mul3A_168, %add3A_309 : i32
      %mul3A_311 = arith.constant 8 : i32
      %mul3A_312 = arith.muli %add3A_310, %mul3A_311 : i32
      %add3A_313 = arith.addi %mul3A_2, %mul3A_312 : i32
      %dma_wait3A_314 = arith.constant 1 : i32
      %dma_wait3A_315 = arith.constant 1 : i32
      %dma_wait3A_316 = arith.constant 0 : i32
      %dma_wait3A_317 = arith.constant 0 : i32
      %dma_wait3A_318 = tpu.memref_slice %arg6[%dma_wait3A_314, %dma_wait3A_316, %dma_wait3A_317] : memref<2x8x4097xf32, #tpu.memory_space<vmem>> -> memref<1x8x4097xf32, #tpu.memory_space<vmem>>
      %dma_wait3A_319 = tpu.memref_squeeze %dma_wait3A_318 : memref<1x8x4097xf32, #tpu.memory_space<vmem>> -> memref<8x4097xf32, #tpu.memory_space<vmem>>
      %dma_wait3A_320 = arith.constant 0 : i32
      %dma_wait3A_321 = tpu.memref_slice %arg4[%add3A_313, %dma_wait3A_320] : memref<8192x4097xf32, #tpu.memory_space<hbm>> -> memref<8x4097xf32, #tpu.memory_space<hbm>>
      %dma_wait3A_322 = tpu.memref_slice %arg8[%dma_wait3A_315] : memref<2x!tpu.dma_semaphore, #tpu.memory_space<semaphore_mem>> -> memref<1x!tpu.dma_semaphore, #tpu.memory_space<semaphore_mem>>
      %dma_wait3A_323 = tpu.memref_squeeze %dma_wait3A_322 : memref<1x!tpu.dma_semaphore, #tpu.memory_space<semaphore_mem>> -> memref<!tpu.dma_semaphore, #tpu.memory_space<semaphore_mem>>
      %dma_wait3A_324 = arith.constant 0 : i32
      %dma_wait3A_325 = tpu.memref_slice %arg4[%add3A_313, %dma_wait3A_324] : memref<8192x4097xf32, #tpu.memory_space<hbm>> -> memref<8x4097xf32, #tpu.memory_space<hbm>>
      %dma_wait3A_326 = arith.constant 0 : i32
      %dma_wait3A_327 = arith.constant 0 : i32
      %dma_wait3A_328 = tpu.memref_slice %arg6[%dma_wait3A_314, %dma_wait3A_326, %dma_wait3A_327] : memref<2x8x4097xf32, #tpu.memory_space<vmem>> -> memref<1x8x4097xf32, #tpu.memory_space<vmem>>
      %dma_wait3A_329 = tpu.memref_squeeze %dma_wait3A_328 : memref<1x8x4097xf32, #tpu.memory_space<vmem>> -> memref<8x4097xf32, #tpu.memory_space<vmem>>
      tpu.wait_dma2 semaphore(%dma_wait3A_323 : memref<!tpu.dma_semaphore, #tpu.memory_space<semaphore_mem>>) src(%dma_wait3A_329 : memref<8x4097xf32, #tpu.memory_space<vmem>>) dst(%dma_wait3A_325 : memref<8x4097xf32, #tpu.memory_space<hbm>>)
      %add3A_330 = arith.constant 3 : i32
      %add3A_331 = arith.addi %mul3A_168, %add3A_330 : i32
      %mul3A_332 = arith.constant 8 : i32
      %mul3A_333 = arith.muli %add3A_331, %mul3A_332 : i32
      %add3A_334 = arith.addi %mul3A_2, %mul3A_333 : i32
      %dma_start3A_335 = arith.constant 1 : i32
      %dma_start3A_336 = arith.constant 1 : i32
      %dma_start3A_337 = arith.constant 0 : i32
      %dma_start3A_338 = arith.constant 0 : i32
      %dma_start3A_339 = tpu.memref_slice %arg6[%dma_start3A_335, %dma_start3A_337, %dma_start3A_338] : memref<2x8x4097xf32, #tpu.memory_space<vmem>> -> memref<1x8x4096xf32, #tpu.memory_space<vmem>>
      %dma_start3A_340 = tpu.memref_squeeze %dma_start3A_339 : memref<1x8x4096xf32, #tpu.memory_space<vmem>> -> memref<8x4096xf32, #tpu.memory_space<vmem>>
      %dma_start3A_341 = arith.constant 0 : i32
      %dma_start3A_342 = tpu.memref_slice %arg2[%add3A_334, %dma_start3A_341] : memref<8192x4096xf32, #tpu.memory_space<hbm>> -> memref<8x4096xf32, #tpu.memory_space<hbm>>
      %dma_start3A_343 = tpu.memref_slice %arg7[%dma_start3A_336] : memref<2x!tpu.dma_semaphore, #tpu.memory_space<semaphore_mem>> -> memref<1x!tpu.dma_semaphore, #tpu.memory_space<semaphore_mem>>
      %dma_start3A_344 = tpu.memref_squeeze %dma_start3A_343 : memref<1x!tpu.dma_semaphore, #tpu.memory_space<semaphore_mem>> -> memref<!tpu.dma_semaphore, #tpu.memory_space<semaphore_mem>>
      %dma_start3A_345 = arith.constant 0 : i32
      %dma_start3A_346 = arith.constant 0 : i32
      %dma_start3A_347 = tpu.memref_slice %arg6[%dma_start3A_335, %dma_start3A_345, %dma_start3A_346] : memref<2x8x4097xf32, #tpu.memory_space<vmem>> -> memref<1x8x4096xf32, #tpu.memory_space<vmem>>
      %dma_start3A_348 = tpu.memref_squeeze %dma_start3A_347 : memref<1x8x4096xf32, #tpu.memory_space<vmem>> -> memref<8x4096xf32, #tpu.memory_space<vmem>>
      %dma_start3A_349 = arith.constant 0 : i32
      %dma_start3A_350 = tpu.memref_slice %arg2[%add3A_334, %dma_start3A_349] : memref<8192x4096xf32, #tpu.memory_space<hbm>> -> memref<8x4096xf32, #tpu.memory_space<hbm>>
      tpu.enqueue_dma source(%dma_start3A_350 : memref<8x4096xf32, #tpu.memory_space<hbm>>) target(%dma_start3A_348 : memref<8x4096xf32, #tpu.memory_space<vmem>>) target_semaphore(%dma_start3A_344 : memref<!tpu.dma_semaphore, #tpu.memory_space<semaphore_mem>>)
    }
    %scan3A_46 = arith.constant 15 : i32
    %get3A = arith.constant 240 : index
    %get3A_47 = tpu.vector_load %arg5[%get3A] {strides = array<i32>} : memref<272xf32, #tpu.memory_space<vmem>>, vector<16xf32>,
    %scatter3A = arith.constant 0 : i32
    %scatter3A_48 = arith.constant 0 : i32
    %scatter3A_49 = arith.constant 0 : i32
    %scatter3A_50 = tpu.memref_slice %arg6[%scatter3A, %scatter3A_48, %scatter3A_49] : memref<2x8x4097xf32, #tpu.memory_space<vmem>> -> memref<1x8x4097xf32, #tpu.memory_space<vmem>>
    %scatter3A_51 = tpu.memref_squeeze %scatter3A_50 : memref<1x8x4097xf32, #tpu.memory_space<vmem>> -> memref<8x4097xf32, #tpu.memory_space<vmem>>
    tpu.vector_store_idx %scatter3A_51[%iota3A, %broadcast_in_dim3A_4], %get3A_47 masked %lt3A_6 : memref<8x4097xf32, #tpu.memory_space<vmem>>[vector<16xi32>, vector<16xi32>], vector<16xf32>, vector<16xi1>
    %add3A_52 = arith.constant 240 : i32
    %add3A_53 = arith.addi %mul3A_2, %add3A_52 : i32
    %dma_wait3A = arith.constant 0 : i32
    %dma_wait3A_54 = arith.constant 0 : i32
    %dma_wait3A_55 = arith.constant 0 : i32
    %dma_wait3A_56 = arith.constant 0 : i32
    %dma_wait3A_57 = tpu.memref_slice %arg6[%dma_wait3A, %dma_wait3A_55, %dma_wait3A_56] : memref<2x8x4097xf32, #tpu.memory_space<vmem>> -> memref<1x8x4096xf32, #tpu.memory_space<vmem>>
    %dma_wait3A_58 = tpu.memref_squeeze %dma_wait3A_57 : memref<1x8x4096xf32, #tpu.memory_space<vmem>> -> memref<8x4096xf32, #tpu.memory_space<vmem>>
    %dma_wait3A_59 = arith.constant 0 : i32
    %dma_wait3A_60 = tpu.memref_slice %arg2[%add3A_53, %dma_wait3A_59] : memref<8192x4096xf32, #tpu.memory_space<hbm>> -> memref<8x4096xf32, #tpu.memory_space<hbm>>
    %dma_wait3A_61 = tpu.memref_slice %arg7[%dma_wait3A_54] : memref<2x!tpu.dma_semaphore, #tpu.memory_space<semaphore_mem>> -> memref<1x!tpu.dma_semaphore, #tpu.memory_space<semaphore_mem>>
    %dma_wait3A_62 = tpu.memref_squeeze %dma_wait3A_61 : memref<1x!tpu.dma_semaphore, #tpu.memory_space<semaphore_mem>> -> memref<!tpu.dma_semaphore, #tpu.memory_space<semaphore_mem>>
    %dma_wait3A_63 = arith.constant 0 : i32
    %dma_wait3A_64 = arith.constant 0 : i32
    %dma_wait3A_65 = tpu.memref_slice %arg6[%dma_wait3A, %dma_wait3A_63, %dma_wait3A_64] : memref<2x8x4097xf32, #tpu.memory_space<vmem>> -> memref<1x8x4096xf32, #tpu.memory_space<vmem>>
    %dma_wait3A_66 = tpu.memref_squeeze %dma_wait3A_65 : memref<1x8x4096xf32, #tpu.memory_space<vmem>> -> memref<8x4096xf32, #tpu.memory_space<vmem>>
    %dma_wait3A_67 = arith.constant 0 : i32
    %dma_wait3A_68 = tpu.memref_slice %arg2[%add3A_53, %dma_wait3A_67] : memref<8192x4096xf32, #tpu.memory_space<hbm>> -> memref<8x4096xf32, #tpu.memory_space<hbm>>
    tpu.wait_dma2 semaphore(%dma_wait3A_62 : memref<!tpu.dma_semaphore, #tpu.memory_space<semaphore_mem>>) src(%dma_wait3A_68 : memref<8x4096xf32, #tpu.memory_space<hbm>>) dst(%dma_wait3A_66 : memref<8x4096xf32, #tpu.memory_space<vmem>>)
    %add3A_69 = arith.constant 240 : i32
    %add3A_70 = arith.addi %mul3A_2, %add3A_69 : i32
    %dma_start3A_71 = arith.constant 0 : i32
    %dma_start3A_72 = arith.constant 0 : i32
    %dma_start3A_73 = arith.constant 0 : i32
    %dma_start3A_74 = arith.constant 0 : i32
    %dma_start3A_75 = tpu.memref_slice %arg6[%dma_start3A_71, %dma_start3A_73, %dma_start3A_74] : memref<2x8x4097xf32, #tpu.memory_space<vmem>> -> memref<1x8x4097xf32, #tpu.memory_space<vmem>>
    %dma_start3A_76 = tpu.memref_squeeze %dma_start3A_75 : memref<1x8x4097xf32, #tpu.memory_space<vmem>> -> memref<8x4097xf32, #tpu.memory_space<vmem>>
    %dma_start3A_77 = arith.constant 0 : i32
    %dma_start3A_78 = tpu.memref_slice %arg4[%add3A_70, %dma_start3A_77] : memref<8192x4097xf32, #tpu.memory_space<hbm>> -> memref<8x4097xf32, #tpu.memory_space<hbm>>
    %dma_start3A_79 = tpu.memref_slice %arg8[%dma_start3A_72] : memref<2x!tpu.dma_semaphore, #tpu.memory_space<semaphore_mem>> -> memref<1x!tpu.dma_semaphore, #tpu.memory_space<semaphore_mem>>
    %dma_start3A_80 = tpu.memref_squeeze %dma_start3A_79 : memref<1x!tpu.dma_semaphore, #tpu.memory_space<semaphore_mem>> -> memref<!tpu.dma_semaphore, #tpu.memory_space<semaphore_mem>>
    %dma_start3A_81 = arith.constant 0 : i32
    %dma_start3A_82 = tpu.memref_slice %arg4[%add3A_70, %dma_start3A_81] : memref<8192x4097xf32, #tpu.memory_space<hbm>> -> memref<8x4097xf32, #tpu.memory_space<hbm>>
    %dma_start3A_83 = arith.constant 0 : i32
    %dma_start3A_84 = arith.constant 0 : i32
    %dma_start3A_85 = tpu.memref_slice %arg6[%dma_start3A_71, %dma_start3A_83, %dma_start3A_84] : memref<2x8x4097xf32, #tpu.memory_space<vmem>> -> memref<1x8x4097xf32, #tpu.memory_space<vmem>>
    %dma_start3A_86 = tpu.memref_squeeze %dma_start3A_85 : memref<1x8x4097xf32, #tpu.memory_space<vmem>> -> memref<8x4097xf32, #tpu.memory_space<vmem>>
    tpu.enqueue_dma source(%dma_start3A_86 : memref<8x4097xf32, #tpu.memory_space<vmem>>) target(%dma_start3A_82 : memref<8x4097xf32, #tpu.memory_space<hbm>>) target_semaphore(%dma_start3A_80 : memref<!tpu.dma_semaphore, #tpu.memory_space<semaphore_mem>>)
    %get3A_87 = arith.constant 248 : index
    %get3A_88 = tpu.vector_load %arg5[%get3A_87] {strides = array<i32>} : memref<272xf32, #tpu.memory_space<vmem>>, vector<16xf32>,
    %scatter3A_89 = arith.constant 1 : i32
    %scatter3A_90 = arith.constant 0 : i32
    %scatter3A_91 = arith.constant 0 : i32
    %scatter3A_92 = tpu.memref_slice %arg6[%scatter3A_89, %scatter3A_90, %scatter3A_91] : memref<2x8x4097xf32, #tpu.memory_space<vmem>> -> memref<1x8x4097xf32, #tpu.memory_space<vmem>>
    %scatter3A_93 = tpu.memref_squeeze %scatter3A_92 : memref<1x8x4097xf32, #tpu.memory_space<vmem>> -> memref<8x4097xf32, #tpu.memory_space<vmem>>
    tpu.vector_store_idx %scatter3A_93[%iota3A, %broadcast_in_dim3A_4], %get3A_88 masked %lt3A_6 : memref<8x4097xf32, #tpu.memory_space<vmem>>[vector<16xi32>, vector<16xi32>], vector<16xf32>, vector<16xi1>
    %add3A_94 = arith.constant 248 : i32
    %add3A_95 = arith.addi %mul3A_2, %add3A_94 : i32
    %dma_wait3A_96 = arith.constant 1 : i32
    %dma_wait3A_97 = arith.constant 1 : i32
    %dma_wait3A_98 = arith.constant 0 : i32
    %dma_wait3A_99 = arith.constant 0 : i32
    %dma_wait3A_100 = tpu.memref_slice %arg6[%dma_wait3A_96, %dma_wait3A_98, %dma_wait3A_99] : memref<2x8x4097xf32, #tpu.memory_space<vmem>> -> memref<1x8x4096xf32, #tpu.memory_space<vmem>>
    %dma_wait3A_101 = tpu.memref_squeeze %dma_wait3A_100 : memref<1x8x4096xf32, #tpu.memory_space<vmem>> -> memref<8x4096xf32, #tpu.memory_space<vmem>>
    %dma_wait3A_102 = arith.constant 0 : i32
    %dma_wait3A_103 = tpu.memref_slice %arg2[%add3A_95, %dma_wait3A_102] : memref<8192x4096xf32, #tpu.memory_space<hbm>> -> memref<8x4096xf32, #tpu.memory_space<hbm>>
    %dma_wait3A_104 = tpu.memref_slice %arg7[%dma_wait3A_97] : memref<2x!tpu.dma_semaphore, #tpu.memory_space<semaphore_mem>> -> memref<1x!tpu.dma_semaphore, #tpu.memory_space<semaphore_mem>>
    %dma_wait3A_105 = tpu.memref_squeeze %dma_wait3A_104 : memref<1x!tpu.dma_semaphore, #tpu.memory_space<semaphore_mem>> -> memref<!tpu.dma_semaphore, #tpu.memory_space<semaphore_mem>>
    %dma_wait3A_106 = arith.constant 0 : i32
    %dma_wait3A_107 = arith.constant 0 : i32
    %dma_wait3A_108 = tpu.memref_slice %arg6[%dma_wait3A_96, %dma_wait3A_106, %dma_wait3A_107] : memref<2x8x4097xf32, #tpu.memory_space<vmem>> -> memref<1x8x4096xf32, #tpu.memory_space<vmem>>
    %dma_wait3A_109 = tpu.memref_squeeze %dma_wait3A_108 : memref<1x8x4096xf32, #tpu.memory_space<vmem>> -> memref<8x4096xf32, #tpu.memory_space<vmem>>
    %dma_wait3A_110 = arith.constant 0 : i32
    %dma_wait3A_111 = tpu.memref_slice %arg2[%add3A_95, %dma_wait3A_110] : memref<8192x4096xf32, #tpu.memory_space<hbm>> -> memref<8x4096xf32, #tpu.memory_space<hbm>>
    tpu.wait_dma2 semaphore(%dma_wait3A_105 : memref<!tpu.dma_semaphore, #tpu.memory_space<semaphore_mem>>) src(%dma_wait3A_111 : memref<8x4096xf32, #tpu.memory_space<hbm>>) dst(%dma_wait3A_109 : memref<8x4096xf32, #tpu.memory_space<vmem>>)
    %add3A_112 = arith.constant 248 : i32
    %add3A_113 = arith.addi %mul3A_2, %add3A_112 : i32
    %dma_start3A_114 = arith.constant 1 : i32
    %dma_start3A_115 = arith.constant 1 : i32
    %dma_start3A_116 = arith.constant 0 : i32
    %dma_start3A_117 = arith.constant 0 : i32
    %dma_start3A_118 = tpu.memref_slice %arg6[%dma_start3A_114, %dma_start3A_116, %dma_start3A_117] : memref<2x8x4097xf32, #tpu.memory_space<vmem>> -> memref<1x8x4097xf32, #tpu.memory_space<vmem>>
    %dma_start3A_119 = tpu.memref_squeeze %dma_start3A_118 : memref<1x8x4097xf32, #tpu.memory_space<vmem>> -> memref<8x4097xf32, #tpu.memory_space<vmem>>
    %dma_start3A_120 = arith.constant 0 : i32
    %dma_start3A_121 = tpu.memref_slice %arg4[%add3A_113, %dma_start3A_120] : memref<8192x4097xf32, #tpu.memory_space<hbm>> -> memref<8x4097xf32, #tpu.memory_space<hbm>>
    %dma_start3A_122 = tpu.memref_slice %arg8[%dma_start3A_115] : memref<2x!tpu.dma_semaphore, #tpu.memory_space<semaphore_mem>> -> memref<1x!tpu.dma_semaphore, #tpu.memory_space<semaphore_mem>>
    %dma_start3A_123 = tpu.memref_squeeze %dma_start3A_122 : memref<1x!tpu.dma_semaphore, #tpu.memory_space<semaphore_mem>> -> memref<!tpu.dma_semaphore, #tpu.memory_space<semaphore_mem>>
    %dma_start3A_124 = arith.constant 0 : i32
    %dma_start3A_125 = tpu.memref_slice %arg4[%add3A_113, %dma_start3A_124] : memref<8192x4097xf32, #tpu.memory_space<hbm>> -> memref<8x4097xf32, #tpu.memory_space<hbm>>
    %dma_start3A_126 = arith.constant 0 : i32
    %dma_start3A_127 = arith.constant 0 : i32
    %dma_start3A_128 = tpu.memref_slice %arg6[%dma_start3A_114, %dma_start3A_126, %dma_start3A_127] : memref<2x8x4097xf32, #tpu.memory_space<vmem>> -> memref<1x8x4097xf32, #tpu.memory_space<vmem>>
    %dma_start3A_129 = tpu.memref_squeeze %dma_start3A_128 : memref<1x8x4097xf32, #tpu.memory_space<vmem>> -> memref<8x4097xf32, #tpu.memory_space<vmem>>
    tpu.enqueue_dma source(%dma_start3A_129 : memref<8x4097xf32, #tpu.memory_space<vmem>>) target(%dma_start3A_125 : memref<8x4097xf32, #tpu.memory_space<hbm>>) target_semaphore(%dma_start3A_123 : memref<!tpu.dma_semaphore, #tpu.memory_space<semaphore_mem>>)
    %add3A_130 = arith.constant 240 : i32
    %add3A_131 = arith.addi %mul3A_2, %add3A_130 : i32
    %dma_wait3A_132 = arith.constant 0 : i32
    %dma_wait3A_133 = arith.constant 0 : i32
    %dma_wait3A_134 = arith.constant 0 : i32
    %dma_wait3A_135 = arith.constant 0 : i32
    %dma_wait3A_136 = tpu.memref_slice %arg6[%dma_wait3A_132, %dma_wait3A_134, %dma_wait3A_135] : memref<2x8x4097xf32, #tpu.memory_space<vmem>> -> memref<1x8x4097xf32, #tpu.memory_space<vmem>>
    %dma_wait3A_137 = tpu.memref_squeeze %dma_wait3A_136 : memref<1x8x4097xf32, #tpu.memory_space<vmem>> -> memref<8x4097xf32, #tpu.memory_space<vmem>>
    %dma_wait3A_138 = arith.constant 0 : i32
    %dma_wait3A_139 = tpu.memref_slice %arg4[%add3A_131, %dma_wait3A_138] : memref<8192x4097xf32, #tpu.memory_space<hbm>> -> memref<8x4097xf32, #tpu.memory_space<hbm>>
    %dma_wait3A_140 = tpu.memref_slice %arg8[%dma_wait3A_133] : memref<2x!tpu.dma_semaphore, #tpu.memory_space<semaphore_mem>> -> memref<1x!tpu.dma_semaphore, #tpu.memory_space<semaphore_mem>>
    %dma_wait3A_141 = tpu.memref_squeeze %dma_wait3A_140 : memref<1x!tpu.dma_semaphore, #tpu.memory_space<semaphore_mem>> -> memref<!tpu.dma_semaphore, #tpu.memory_space<semaphore_mem>>
    %dma_wait3A_142 = arith.constant 0 : i32
    %dma_wait3A_143 = tpu.memref_slice %arg4[%add3A_131, %dma_wait3A_142] : memref<8192x4097xf32, #tpu.memory_space<hbm>> -> memref<8x4097xf32, #tpu.memory_space<hbm>>
    %dma_wait3A_144 = arith.constant 0 : i32
    %dma_wait3A_145 = arith.constant 0 : i32
    %dma_wait3A_146 = tpu.memref_slice %arg6[%dma_wait3A_132, %dma_wait3A_144, %dma_wait3A_145] : memref<2x8x4097xf32, #tpu.memory_space<vmem>> -> memref<1x8x4097xf32, #tpu.memory_space<vmem>>
    %dma_wait3A_147 = tpu.memref_squeeze %dma_wait3A_146 : memref<1x8x4097xf32, #tpu.memory_space<vmem>> -> memref<8x4097xf32, #tpu.memory_space<vmem>>
    tpu.wait_dma2 semaphore(%dma_wait3A_141 : memref<!tpu.dma_semaphore, #tpu.memory_space<semaphore_mem>>) src(%dma_wait3A_147 : memref<8x4097xf32, #tpu.memory_space<vmem>>) dst(%dma_wait3A_143 : memref<8x4097xf32, #tpu.memory_space<hbm>>)
    %add3A_148 = arith.constant 248 : i32
    %add3A_149 = arith.addi %mul3A_2, %add3A_148 : i32
    %dma_wait3A_150 = arith.constant 1 : i32
    %dma_wait3A_151 = arith.constant 1 : i32
    %dma_wait3A_152 = arith.constant 0 : i32
    %dma_wait3A_153 = arith.constant 0 : i32
    %dma_wait3A_154 = tpu.memref_slice %arg6[%dma_wait3A_150, %dma_wait3A_152, %dma_wait3A_153] : memref<2x8x4097xf32, #tpu.memory_space<vmem>> -> memref<1x8x4097xf32, #tpu.memory_space<vmem>>
    %dma_wait3A_155 = tpu.memref_squeeze %dma_wait3A_154 : memref<1x8x4097xf32, #tpu.memory_space<vmem>> -> memref<8x4097xf32, #tpu.memory_space<vmem>>
    %dma_wait3A_156 = arith.constant 0 : i32
    %dma_wait3A_157 = tpu.memref_slice %arg4[%add3A_149, %dma_wait3A_156] : memref<8192x4097xf32, #tpu.memory_space<hbm>> -> memref<8x4097xf32, #tpu.memory_space<hbm>>
    %dma_wait3A_158 = tpu.memref_slice %arg8[%dma_wait3A_151] : memref<2x!tpu.dma_semaphore, #tpu.memory_space<semaphore_mem>> -> memref<1x!tpu.dma_semaphore, #tpu.memory_space<semaphore_mem>>
    %dma_wait3A_159 = tpu.memref_squeeze %dma_wait3A_158 : memref<1x!tpu.dma_semaphore, #tpu.memory_space<semaphore_mem>> -> memref<!tpu.dma_semaphore, #tpu.memory_space<semaphore_mem>>
    %dma_wait3A_160 = arith.constant 0 : i32
    %dma_wait3A_161 = tpu.memref_slice %arg4[%add3A_149, %dma_wait3A_160] : memref<8192x4097xf32, #tpu.memory_space<hbm>> -> memref<8x4097xf32, #tpu.memory_space<hbm>>
    %dma_wait3A_162 = arith.constant 0 : i32
    %dma_wait3A_163 = arith.constant 0 : i32
    %dma_wait3A_164 = tpu.memref_slice %arg6[%dma_wait3A_150, %dma_wait3A_162, %dma_wait3A_163] : memref<2x8x4097xf32, #tpu.memory_space<vmem>> -> memref<1x8x4097xf32, #tpu.memory_space<vmem>>
    %dma_wait3A_165 = tpu.memref_squeeze %dma_wait3A_164 : memref<1x8x4097xf32, #tpu.memory_space<vmem>> -> memref<8x4097xf32, #tpu.memory_space<vmem>>
    tpu.wait_dma2 semaphore(%dma_wait3A_159 : memref<!tpu.dma_semaphore, #tpu.memory_space<semaphore_mem>>) src(%dma_wait3A_165 : memref<8x4097xf32, #tpu.memory_space<vmem>>) dst(%dma_wait3A_161 : memref<8x4097xf32, #tpu.memory_space<hbm>>)
    return
  }
}

</mosaic_0001>

<sc_bundles>
// kernel: kernel.3.cloned.1.call-start
scs
__scs_entry_jumppad:
0x0: {  	(pc) =	sbr.rel $0x88, $3  }
0x1: {  	(tag) =	ssettag $0x0;
	lr =	simm.s32 $0x1  }
0x2: {  	[smem:$0x3F9F] =	sst lr;
	_ =	strace $0xD0000000  }
0x3: {  	_ = 	snop  }
0x4: {  	_ = 	snop  }
0x5: {  	_ = 	snop  }
0x6: {  	_ = 	snop  }
0x7: {  	_ = 	snop  }
__scs_overlays_trampoline_lowered:
0x8: {  	[smem:$0x3FAE] =	sst s0  }
0x9: {  	[smem:$0x3FAF] =	sst s1  }
0xa: {  	[smem:$0x3FB0] =	sst s2  }
0xb: {  	[smem:$0x3FB1] =	sst s3  }
0xc: {  	[smem:$0x3FB2] =	sst s4  }
0xd: {  	[smem:$0x3FB3] =	sst s5  }
0xe: {  	[smem:$0x3FB4] =	sst s6  }
0xf: {  	[smem:$0x3FB5] =	sst s7  }
0x10: {  	[smem:$0x3FB6] =	sst s8  }
0x11: {  	[smem:$0x3FB7] =	sst s9;
	s0 =	simm.s32 @!p0 $0x0  }
0x12: {  	s1 =	sld [smem:$0x3F9D];
	s0 =	simm.s32 @p0 $0x1  }
0x13: {  	[smem:$0x3FB8] =	sst s0;
	s0 =	simm.s32 @!p1 $0x0  }
0x14: {  	s2 =	sld [smem:$0x3F9C];
	s0 =	simm.s32 @p1 $0x1  }
0x15: {  	[smem:$0x3FB9] =	sst s0;
	s0 =	simm.s32 @!p2 $0x0  }
0x16: {  	s3 =	sld [smem:$0x3FDB];
	s0 =	simm.s32 @p2 $0x1  }
0x17: {  	s4 =	simm.s32 $0x1BF5;
	[smem:$0x3FBB] =	sst s0  }
0x18: {  	s0 =	sld [smem:$0x3F9E];
	_ =	swait.ge [sflag:s4], $0x0  }
0x19: {  	s7 =	sld [smem:$0x3F9F]  }
0x1a: {  	s8 =	sadd.s32 $0xFFFFE003, lr  }
0x1b: {  	s9 =	sadd.s32 $0xFFFFFEF7, lr;
	s5 =	simm.s32 $0xFFFFFFFF;
	p2 =	slt.u32 s8, $0xFFFFF086  }
0x1c: {  	p1 =	slt.u32 s9, $0xF7A;
	s5 =	simm.s32 @!p2 $0x0  }
0x1d: {  	s5 =	simm.s32 @p1 $0x1;
	p0 =	seq.s32 s7, s2  }
0x1e: {  	s7 =	smul.u32 @!p0 $0xF7A, s2;
	p2 =	seq.s32 @!p0 s5, $0x0  }
0x1f: {  	s9 =	smul.u32 $0xF7A, s1;
	s8 =	simm.s32 @!p0 $0x1BF5;
	p2 =	por !p2, p0  }
0x20: {  	[sflag:s8] =	ssyncset.s32 @!p0 $0xFFFFF086;
	s6 =	sadd.s32 @!p0 s3, s7;
	s7 =	simm.s32 @!p0 $0x108  }
0x21: {  	s3 =	sadd.s32 s3, s9;
	s6 =	sadd.s32 @!p0 $0x88, s6;
	s7 =	simm.s32 @p2 $0x1082  }
0x22: {  	[simem:s7], [sflag:s8] =	dma.local @!p0 [hbm:s6], $0xF7A  }
0x23: {  	s9 =	sor.u32 $0xD0000000, s2;
	s6 =	simm.s32 $0x108;
	_ =	swait.ge @!p0 [sflag:s8], $0x0  }
0x24: {  	s3 =	sadd.s32 $0x88, s3;
	s6 =	simm.s32 @!p1 $0x1082;
	[sflag:s4] =	ssyncset.s32 $0xFFFFF086  }
0x25: {  	[simem:s6], [sflag:s4] =	dma.local [hbm:s3], $0xF7A  }
0x26: {  	[smem:$0x3F9F] =	sst s1;
	(tag) =	ssettag s2;
	_ =	strace s9  }
0x27: {  	s1 =	sld [smem:$0x3FAF]  }
0x28: {  	s2 =	sld [smem:$0x3FB0]  }
0x29: {  	s4 =	sld [smem:$0x3FB2]  }
0x2a: {  	p0 =	seq.s32 s5, $0x0;
	s5 =	sld [smem:$0x3FB3]  }
0x2b: {  	s6 =	sld [smem:$0x3FB4]  }
0x2c: {  	s7 =	sld [smem:$0x3FB5]  }
0x2d: {  	s3 =	simm.s32 $0x108;
	s8 =	sld [smem:$0x3FB6]  }
0x2e: {  	s3 =	simm.s32 @!p0 $0x1082;
	s9 =	sld [smem:$0x3FB7]  }
0x2f: {  	lr =	sadd.s32 s0, s3;
	s0 =	sld [smem:$0x3FAE]  }
0x30: {  	s3 =	sld [smem:$0x3FB1]  }
0x31: {  	[smem:$0x3FBA] =	sst s10  }
0x32: {  	s10 =	sld [smem:$0x3FB8];
	_ =	sdelay $0x3  }
0x33: {  	p0 =	seq.s32 s10, $0x1;
	s10 =	sld [smem:$0x3FBA];
	_ =	sdelay $0x3  }
0x34: {  	[smem:$0x3FBA] =	sst s10  }
0x35: {  	s10 =	sld [smem:$0x3FB9];
	_ =	sdelay $0x3  }
0x36: {  	p1 =	seq.s32 s10, $0x1;
	s10 =	sld [smem:$0x3FBA];
	_ =	sdelay $0x3  }
0x37: {  	[smem:$0x3FBA] =	sst s10  }
0x38: {  	s10 =	sld [smem:$0x3FBB]  }
0x39: {  	_ = 	snop;
	(pc) =	sbr.ind lr, $3  }
0x3a: {  	_ = 	snop  }
0x3b: {  	_ = 	snop  }
0x3c: {  	p2 =	seq.s32 s10, $0x1;
	s10 =	sld [smem:$0x3FBA]  }
0x3d: {  	_ =	shalt  }
0x3e: {  	_ =	shalt  }
0x3f: {  	_ =	shalt  }
0x40: {  	_ =	shalt  }
0x41: {  	_ =	shalt  }
0x42: {  	_ =	shalt  }
0x43: {  	_ =	shalt  }
0x44: {  	_ =	shalt  }
0x45: {  	_ =	shalt  }
0x46: {  	_ =	shalt  }
0x47: {  	_ =	shalt  }
0x48: {  	_ =	shalt  }
0x49: {  	_ =	shalt  }
0x4a: {  	_ =	shalt  }
0x4b: {  	_ =	shalt  }
0x4c: {  	_ =	shalt  }
0x4d: {  	_ =	shalt  }
0x4e: {  	_ =	shalt  }
0x4f: {  	_ =	shalt  }
0x50: {  	_ =	shalt  }
0x51: {  	_ =	shalt  }
0x52: {  	_ =	shalt  }
0x53: {  	_ =	shalt  }
0x54: {  	_ =	shalt  }
0x55: {  	_ =	shalt  }
0x56: {  	_ =	shalt  }
0x57: {  	_ =	shalt  }
0x58: {  	_ =	shalt  }
0x59: {  	_ =	shalt  }
0x5a: {  	_ =	shalt  }
0x5b: {  	_ =	shalt  }
0x5c: {  	_ =	shalt  }
0x5d: {  	_ =	shalt  }
0x5e: {  	_ =	shalt  }
0x5f: {  	_ =	shalt  }
0x60: {  	_ =	shalt  }
0x61: {  	_ =	shalt  }
0x62: {  	_ =	shalt  }
0x63: {  	_ =	shalt  }
0x64: {  	_ =	shalt  }
0x65: {  	_ =	shalt  }
0x66: {  	_ =	shalt  }
0x67: {  	_ =	shalt  }
0x68: {  	_ =	shalt  }
0x69: {  	_ =	shalt  }
0x6a: {  	_ =	shalt  }
0x6b: {  	_ =	shalt  }
0x6c: {  	_ =	shalt  }
0x6d: {  	_ =	shalt  }
0x6e: {  	_ =	shalt  }
0x6f: {  	_ =	shalt  }
0x70: {  	_ =	shalt  }
0x71: {  	_ =	shalt  }
0x72: {  	_ =	shalt  }
0x73: {  	_ =	shalt  }
0x74: {  	_ =	shalt  }
0x75: {  	_ =	shalt  }
0x76: {  	_ =	shalt  }
0x77: {  	_ =	shalt  }
0x78: {  	_ =	shalt  }
0x79: {  	_ =	shalt  }
0x7a: {  	_ =	shalt  }
0x7b: {  	_ =	shalt  }
0x7c: {  	_ =	shalt  }
0x7d: {  	_ =	shalt  }
0x7e: {  	_ =	shalt  }
0x7f: {  	_ =	shalt  }
0x80: {  	_ =	shalt  }
0x81: {  	_ =	shalt  }
0x82: {  	_ =	shalt  }
0x83: {  	_ =	shalt  }
0x84: {  	_ =	shalt  }
0x85: {  	_ =	shalt  }
0x86: {  	_ =	shalt  }
0x87: {  	_ =	shalt  }
.Lfunc_end0:
.L_simem_size_0:
called_computation.1_lowered:
.L_overlay_start_0:
0x88: {  	s2 =	sld [smem:$0x3FD9]  }
0x89: {  	s3 =	sld [smem:$0x3FFE];
	_ =	sdelay $0x1  }
0x8a: {  	s1 =	srdreg.scid  }
0x8b: {  	s0 =	sand.u32 $0x1, s1  }
0x8c: {  	s17 =	sshll.u32 s0, $0xA;
	s2 =	sadd.s32 s3, s2  }
0x8d: {  	s2 =	sadd.s32 s2, s17  }
0x8e: {  	[smem:$0x3FC6] =	sst s2  }
0x8f: {  	_ = 	snop  }
0x90: {  	s2 =	sld [smem:$0x3FC9]  }
0x91: {  	s18 =	sld [smem:$0x3FC8];
	(tm) =	ssettm $0x1  }
0x92: {  	s4 =	sld [smem:$0x3FFB];
	_ =	sdelay $0x3  }
0x93: {  	_ =	strace s4  }
0x94: {  	s4 =	sld [smem:$0x3FFC];
	_ =	sdelay $0x3  }
0x95: {  	_ =	strace s4  }
0x96: {  	s4 =	sld [smem:$0x3FFD];
	_ =	sdelay $0x3  }
0x97: {  	_ =	strace s4  }
0x98: {  	_ =	strace $0x8FFFFFFF  }
0x99: {  	s19 =	sld [smem:$0x3FDB];
	_ =	sdelay $0x1  }
0x9a: {  	s5 =	simm.s32 $_scs_section_size  }
0x9b: {  	s6 =	simm.s32 $_size__tile_overlayer_lowered;
	s7 =	simm.s32 $_tile_overlayer_lowered  }
0x9c: {  	s22 =	simm.s32 $0x1BFF;
	s21 =	sshll.u32 s7, $0x1;
	s4 =	sadd.s32 s5, s19  }
0x9d: {  	s8 =	simm.s32 $0x0;
	s20 =	sshll.u32 s6, $0x1;
	s6 =	sadd.s32 s21, s4  }
0x9e: {  	[timem:s8], [sflag:s22] =	dma.local [hbm:s6], s20  }
0x9f: {  	_ =	swait.ge [sflag:s22], s20  }
0xa0: {  	s5 =	ssub.s32 $0x0, s20;
	[sflag:s22] =	ssyncset.done $0x0  }
0xa1: {  	[sflag:s22] =	ssyncadd.s32 s5;
	_ =	sdelay $0x1  }
0xa2: {  	s23 =	simm.s32 $0x1B8B  }
0xa3: {  	_ =	swait.ge [sflag:s23], $0x1  }
0xa4: {  	[sflag:s23] =	ssyncset.done $0x0  }
0xa5: {  	s25 =	simm.s32 $0x1B8E;
	s24 =	sld [smem:$0x3FFE];
	[sflag:s23] =	ssyncadd.s32 $0xFFFFFFFF  }
0xa6: {  	s26 =	simm.s32 $execute0_lowered;
	[smem:$0x3FD2] =	sst s25  }
0xa7: {  	s6 =	sshll.u32 s26, $0x1;
	_ =	strace $0x80000046;
	[dreg:$0x1] =	wrdreg $0xFFFFFFFF  }
0xa8: {  	s28 =	simm.s32 $_size_execute0_lowered;
	s4 =	sadd.s32 s4, s6;
	[dreg:$0x0] =	wrdreg $0x0  }
0xa9: {  	s6 =	sshll.u32 s28, $0x1;
	[dreg:$0x2] =	wrdreg s4  }
0xaa: {  	[dreg:$0x3] =	wrdreg s6  }
0xab: {  	[dreg:$0x4] =	wrdreg $0xC0  }
0xac: {  	_ =	task [dreg:s8], $0x5FFFF  }
0xad: {  	[dreg:$0x1] =	wrdreg $0xFFFFFFFF  }
0xae: {  	[dreg:$0x0] =	wrdreg $0x60  }
0xaf: {  	[dreg:$0x2] =	wrdreg s2  }
0xb0: {  	[dreg:$0x3] =	wrdreg s18  }
0xb1: {  	[dreg:$0x4] =	wrdreg s24  }
0xb2: {  	[dreg:$0x5] =	wrdreg $0x9  }
0xb3: {  	_ =	task.clear_ibuf [dreg:s8], $0x6FFFF;
	_ =	strace $0x90000046  }
0xb4: {  	s29 =	simm.s32 $0x9;
	_ =	strace $0x80000048  }
0xb5: {  	_ =	swait.ge [sflag:s29], $0x1  }
0xb6: {  	[sflag:s29] =	ssyncadd.s32 $0xFFFFFFFF  }
0xb7: {  	_ =	strace $0x90000048  }
0xb8: {  	_ =	sfence  }
0xb9: {  	s30 =	sld [smem:$0x0];
	_ =	sdelay $0x2  }
0xba: {  	s31 =	sshll.u32 s1, $0xD;
	s1 =	sshrl.u32 s1, $0x2  }
0xbb: {  	s3 =	sand.u32 $0x4000, s31;
	s1 =	sadd.s32 s1, s30  }
0xbc: {  	s0 =	sor.u32 s3, s0;
	s1 =	sshll.u32 s1, $0x11  }
0xbd: {  	s0 =	sor.u32 s1, s0  }
0xbe: {  	s0 =	sadd.s32 $0x8F2B, s0  }
0xbf: {  	[sflag:s0] =	ssyncadd.remote.s32 $0x1  }
0xc0: {  	_ =	sfence.sel $0xFFFF  }
0xc1: {  	[dreg:$0x0] =	wrdreg $0xFFFFFFFF;
	(pc) =	sbr.abs _section_cstart, $3  }
0xc2: {  	[dreg:$0x1] =	wrdreg $0xFFFFFFFF  }
0xc3: {  	_ =	task.clear_ibuf [dreg:s8], $0x2FFFF;
	_ =	strace $0x9FFFFFFF  }
0xc4: {  	(tm) =	ssettm $0x7FFFFFFF  }
0xc5: {  	_ =	shalt  }
tec
execute0_lowered:
.L_overlay_start_1:
0x0: {  	(tag) =	ssettag $0x1  }
0x1: {  	s8 =	rddreg [dreg:$0x0]  }
0x2: {  	s1 =	srdreg.scid;
	v0 =	vimm.s32 $0x10780;
	vm0 =	vcmask $0x300;
	s3 =	rddreg [dreg:$0x1]  }
0x3: {  	s0 =	stileid.u32;
	vm14 =	vcmask $0x704;
	s4 =	rddreg [dreg:$0x2];
	v0 =	vsel vm0, $0x8000, v0  }
0x4: {  	vm15 =	vcmask $0xB08;
	s2 =	simm.s32 $0x0;
	s16 =	simm.s32 $0x2;
	s17 =	simm.s32 $0x3;
	v0 =	vsel vm14, $0x8080, v0  }
0x5: {  	vm4 =	vcmask $0xF0C;
	s18 =	simm.s32 $0x4;
	s9 =	sand.u32 $0x1, s1;
	s1 =	rddreg [dreg:$0x3];
	v0 =	vsel vm15, $0x8100, v0  }
0x6: {  	vm5 =	vcmask $0x1310;
	s19 =	simm.s32 $0x0;
	s5 =	sshll.u32 s0, $0x9;
	[smem:$0x7FF] =	sst s2;
	v0 =	vsel vm4, $0x8180, v0  }
0x7: {  	vm6 =	vcmask $0x1714;
	s12 =	sadd.s32 $0x800, s4;
	s14 =	sshll.u32 s0, $0x12;
	s6 =	sshll.u32 s9, $0x8;
	v0 =	vsel vm5, $0x8200, v0  }
0x8: {  	vm7 =	vcmask $0x1B18;
	s25 =	ssub.s32 $0x2, s9;
	_ =	strace $0x80000047;
	s14 =	sadd.s32 s14, s8;
	v0 =	vsel vm6, $0x8280, v0  }
0x9: {  	vm8 =	vcmask $0x1F1C;
	s9 =	sshll.u32 s9, $0x11;
	s5 =	sor.u32 s6, s5;
	s7 =	sshrl.u32 s25, $0x1;
	v0 =	vsel vm7, $0x8300, v0  }
0xa: {  	vm9 =	vcmask $0x2320;
	s9 =	sadd.s32 s9, s14;
	s14 =	simm.s32 $0x8580;
	s10 =	sshrl.u32 s5, $0x3;
	v0 =	vsel vm8, $0x8380, v0  }
0xb: {  	vm10 =	vcmask $0x2724;
	s13 =	ssub.s32 s25, s7;
	s28 =	sshll.u32 s5, $0x9;
	s11 =	smul.u32 $0x8400, s10;
	v0 =	vsel vm9, $0x10400, v0  }
0xc: {  	vm11 =	vcmask $0x2B28;
	s31 =	sor.u32 $0x8, s5;
	s26 =	sand.u32 $0xE0, s10;
	s4 =	sadd.s32 s8, s28;
	v0 =	vsel vm10, $0x10480, v0  }
0xd: {  	vm12 =	vcmask $0x2F2C;
	s15 =	smul.u32 $0x1080, s10;
	s29 =	sshrl.u32 s11, $0x3;
	s11 =	sshrl.u32 s31, $0x3;
	v0 =	vsel vm11, $0x10500, v0  }
0xe: {  	vm13 =	vcmask $0x3330;
	s8 =	smax.u32 s13, $0x1;
	s13 =	simm.s32 $0x180;
	s11 =	smul.u32 $0x1080, s11;
	v0 =	vsel vm12, $0x10580, v0  }
0xf: {  	vm14 =	vcmask $0x3734;
	s3 =	sadd.s32 s3, s26;
	s5 =	sadd.s32 $0x1000, s4;
	s30 =	sadd.s32 s12, s29;
	v0 =	vsel vm13, $0x10600, v0  }
0x10: {  	vm15 =	vcmask $0x3B38;
	s6 =	sadd.s32 $0x1EF00, s30;
	s7 =	sadd.s32 $0x1FF80, s30;
	s10 =	sadd.s32 s11, s12;
	v0 =	vsel vm14, $0x10680, v0  }
0x11: {  	s11 =	sadd.s32 s15, s12;
	s12 =	simm.s32 $0x5;
	s15 =	simm.s32 $0x1;
	v0 =	vsel vm15, $0x10700, v0  }
.LBB2_1:
0x12: {  	[tilespmem:s2], [sflag:$0x5] =	stream.linear.gather [hbm4b:s3+s2], $0x100, $0x38;
	[tilespmem:$0x10980] =	vst v63  }
0x13: {  	_ =	swait.ge [sflag:s12], $0x100  }
0x14: {  	[sflag:s12] =	ssyncset.done $0x0  }
0x15: {  	[sflag:s12] =	ssyncadd.s32 $0xFFFFFF00  }
0x16: {  	[tilespmem:s13], [sflag:$0x1] =	stream.linear.gather [hbm4b:s4+s2], $0x8000, $0x38;
	[tilespmem:$0x10980] =	vst v63  }
0x17: {  	s20 =	simm.s32 $0x8  }
0x18: {  	[tilespmem:s14], [sflag:$0x2] =	stream.linear.gather [hbm4b:s5+s2], $0x8000, $0x38;
	[tilespmem:$0x10980] =	vst v63  }
0x19: {  	v1 =	vld [tilespmem:s20+$0xFFFFFFF8];
	_ =	sdelay $0x4  }
0x1a: {  	[tilespmem:v0+s13+$0x0] =	vst.idx.msk $0xff, v1  }
0x1b: {  	_ =	swait.ge [sflag:s15], $0x8000  }
0x1c: {  	[sflag:s15] =	ssyncset.done $0x0  }
0x1d: {  	[sflag:s15] =	ssyncadd.s32 $0xFFFF8000  }
0x1e: {  	[hbm4b:s11+s2] =	stream.linear.scatter [tilespmem:s13], [sflag:$0x3], $0x8400, $0x38;
	[tilespmem:$0x10980] =	vst v63  }
0x1f: {  	v1 =	vld [tilespmem:s20+$0x0];
	_ =	sdelay $0x4  }
0x20: {  	[tilespmem:v0+s14+$0x0] =	vst.idx.msk $0xff, v1  }
0x21: {  	_ =	swait.ge [sflag:s16], $0x8000  }
0x22: {  	[sflag:s16] =	ssyncset.done $0x0  }
0x23: {  	[sflag:s16] =	ssyncadd.s32 $0xFFFF8000  }
0x24: {  	[hbm4b:s10+s2] =	stream.linear.scatter [tilespmem:s14], [sflag:$0x4], $0x8400, $0x38;
	[tilespmem:$0x10980] =	vst v63  }
0x25: {  	_ =	swait.ge [sflag:s17], $0x8400  }
0x26: {  	s23 =	sadd.s32 $0x0, s9;
	[sflag:s17] =	ssyncset.done $0x0  }
0x27: {  	s31 =	sadd.s32 $0x2000, s23;
	[sflag:s17] =	ssyncadd.s32 $0xFFFF7C00  }
0x28: {  	[tilespmem:s13], [sflag:$0x1] =	stream.linear.gather [hbm4b:s31+s2], $0x8000, $0x38;
	[tilespmem:$0x10980] =	vst v63  }
0x29: {  	s21 =	sadd.s32 $0x2100, s11;
	_ =	swait.ge [sflag:s18], $0x8400  }
0x2a: {  	s22 =	simm.s32 $0x18;
	s24 =	sadd.s32 $0x3000, s23;
	[sflag:s18] =	ssyncset.done $0x0  }
0x2b: {  	s23 =	sadd.s32 $0x2100, s10;
	s20 =	simm.s32 $0x2000;
	[sflag:s18] =	ssyncadd.s32 $0xFFFF7C00  }
.LBB2_2:
0x2c: {  	[tilespmem:s14], [sflag:$0x2] =	stream.linear.gather [hbm4b:s24+s2], $0x8000, $0x38;
	[tilespmem:$0x10980] =	vst v63  }
0x2d: {  	p0 =	sne.s32 s20, $0x1C000;
	s24 =	smov.u32 s20;
	s20 =	sadd.s32 $0x2000, s20;
	v1 =	vld [tilespmem:s22+$0xFFFFFFF8]  }
0x2e: {  	_ =	sdelay $0x3  }
0x2f: {  	[tilespmem:v0+s13+$0x0] =	vst.idx.msk $0xff, v1  }
0x30: {  	_ =	swait.ge [sflag:s15], $0x8000  }
0x31: {  	[sflag:s15] =	ssyncset.done $0x0  }
0x32: {  	[sflag:s15] =	ssyncadd.s32 $0xFFFF8000  }
0x33: {  	[hbm4b:s21+s2] =	stream.linear.scatter [tilespmem:s13], [sflag:$0x3], $0x8400, $0x38;
	[tilespmem:$0x10980] =	vst v63  }
0x34: {  	v1 =	vld [tilespmem:s22+$0x0];
	_ =	sdelay $0x4  }
0x35: {  	[tilespmem:v0+s14+$0x0] =	vst.idx.msk $0xff, v1  }
0x36: {  	_ =	swait.ge [sflag:s16], $0x8000  }
0x37: {  	[sflag:s16] =	ssyncset.done $0x0  }
0x38: {  	[sflag:s16] =	ssyncadd.s32 $0xFFFF8000  }
0x39: {  	[hbm4b:s23+s2] =	stream.linear.scatter [tilespmem:s14], [sflag:$0x4], $0x8400, $0x38;
	[tilespmem:$0x10980] =	vst v63  }
0x3a: {  	_ =	swait.ge [sflag:s17], $0x8400  }
0x3b: {  	s24 =	sadd.s32 s24, s9;
	[sflag:s17] =	ssyncset.done $0x0  }
.Ltmp0:
0x3c: {  	s25 =	sadd.s32 $0x2000, s24;
	[sflag:s17] =	ssyncadd.s32 $0xFFFF7C00;
	(pc) =	sbr.rel @p0 .LBB2_2-.Ltmp0, $4  }
0x3d: {  	[tilespmem:s13], [sflag:$0x1] =	stream.linear.gather [hbm4b:s25+s2], $0x8000, $0x38;
	[tilespmem:$0x10980] =	vst v63  }
0x3e: {  	_ =	swait.ge [sflag:s18], $0x8400  }
0x3f: {  	s21 =	sadd.s32 $0x2100, s21;
	s22 =	sadd.s32 $0x10, s22;
	[sflag:s18] =	ssyncset.done $0x0  }
0x40: {  	s24 =	sadd.s32 $0x3000, s24;
	s23 =	sadd.s32 $0x2100, s23;
	[sflag:s18] =	ssyncadd.s32 $0xFFFF7C00  }
0x41: {  	[tilespmem:s14], [sflag:$0x2] =	stream.linear.gather [hbm4b:s24+s2], $0x8000, $0x38;
	[tilespmem:$0x10980] =	vst v63  }
0x42: {  	v1 =	vld [tilespmem:$0xF0];
	_ =	sdelay $0x4  }
0x43: {  	[tilespmem:v0+s13+$0x0] =	vst.idx.msk $0xff, v1  }
0x44: {  	_ =	swait.ge [sflag:s15], $0x8000  }
0x45: {  	[sflag:s15] =	ssyncset.done $0x0  }
0x46: {  	[sflag:s15] =	ssyncadd.s32 $0xFFFF8000  }
0x47: {  	[hbm4b:s6+s2] =	stream.linear.scatter [tilespmem:s13], [sflag:$0x3], $0x8400, $0x38;
	[tilespmem:$0x10980] =	vst v63  }
0x48: {  	v1 =	vld [tilespmem:$0xF8];
	_ =	sdelay $0x4  }
0x49: {  	[tilespmem:v0+s14+$0x0] =	vst.idx.msk $0xff, v1  }
0x4a: {  	_ =	swait.ge [sflag:s16], $0x8000  }
0x4b: {  	[sflag:s16] =	ssyncset.done $0x0  }
0x4c: {  	s19 =	sadd.s32 $0x1, s19;
	[sflag:s16] =	ssyncadd.s32 $0xFFFF8000  }
0x4d: {  	[hbm4b:s7+s2] =	stream.linear.scatter [tilespmem:s14], [sflag:$0x4], $0x8400, $0x38;
	[tilespmem:$0x10980] =	vst v63  }
0x4e: {  	p0 =	sne.s32 s19, s8;
	_ =	swait.ge [sflag:s17], $0x8400  }
.Ltmp1:
0x4f: {  	[sflag:s17] =	ssyncset.done $0x0;
	(pc) =	sbr.rel @p0 .LBB2_1-.Ltmp1, $4  }
0x50: {  	[sflag:s17] =	ssyncadd.s32 $0xFFFF7C00  }
0x51: {  	_ =	swait.ge [sflag:s18], $0x8400  }
0x52: {  	[sflag:s18] =	ssyncset.done $0x0  }
0x53: {  	[sflag:s18] =	ssyncadd.s32 $0xFFFF7C00  }
0x54: {  	_ =	sfence.sel $0x180000  }
0x55: {  	[bflag:$0x0] =	sbarrier.arrive $0xFFFF  }
0x56: {  	p0 =	sne.s32 s0, $0x0;
	_ =	strace $0x90000047  }
0x57: {  	s0 =	sadd.s32 @!p0 $0x100000, s1;
	[bflag:$0x2] =	sbarrier.arrive $0xFFFF  }
0x58: {  	[sflag:s0] =	ssyncadd.tile.s32 @!p0 $0x1;
	_ =	shalt  }
.Lfunc_end2:
_tile_overlayer_lowered:
.L_overlay_start_2:
0x59: {  	(tag) =	ssettag $0x2  }
0x5a: {  	s0 =	rddreg [dreg:$0x0];
	s2 =	stileid.u32  }
0x5b: {  	s1 =	rddreg [dreg:$0x1];
	p0 =	sne.s32 s2, $0x0  }
0x5c: {  	s3 =	rddreg [dreg:$0x2];
	[bflag:$0x3] =	sbarrier.arrive $0xFFFF;
	s2 =	simm.s32 @!p0 $0x1C05  }
0x5d: {  	[timem:s3], [sflag:s2] =	dma.local @!p0 [hbm:s0], s1  }
0x5e: {  	s0 =	simm.s32 @!p0 $0x5  }
0x5f: {  	_ =	swait.ge @!p0 [sflag:s0], s1  }
0x60: {  	s1 =	ssub.s32 @!p0 $0x0, s1;
	[sflag:s0] =	ssyncset.done @!p0 $0x0  }
0x61: {  	[sflag:s0] =	ssyncadd.s32 @!p0 s1  }
0x62: {  	[bflag:$0x3] =	sbarrier.arrive $0xFFFF  }
0x63: {  	_ =	shalt  }

// kernel: sparse-core-data-format-call.cloned.1.call-start
scs
called_computation_lowered:
.L_overlay_start_0:
0x0: {  	s2 =	sld [smem:$0x3FD9]  }
0x1: {  	s3 =	sld [smem:$0x3FFE];
	_ =	sdelay $0x1  }
0x2: {  	s1 =	srdreg.scid  }
0x3: {  	s0 =	sand.u32 $0x1, s1  }
0x4: {  	s18 =	sshll.u32 s0, $0xA;
	s2 =	sadd.s32 s3, s2  }
0x5: {  	s2 =	sadd.s32 s2, s18  }
0x6: {  	[smem:$0x3FC6] =	sst s2  }
0x7: {  	_ = 	snop  }
0x8: {  	s2 =	sld [smem:$0x3FD0];
	(tm) =	ssettm $0x1  }
0x9: {  	s19 =	sld [smem:$0x3FFB];
	_ =	sdelay $0x3  }
0xa: {  	_ =	strace s19  }
0xb: {  	s3 =	sld [smem:$0x3FFC];
	_ =	sdelay $0x3  }
0xc: {  	_ =	strace s3  }
0xd: {  	s3 =	sld [smem:$0x3FFD];
	_ =	sdelay $0x3  }
0xe: {  	_ =	strace s3  }
0xf: {  	_ =	strace $0x8FFFFFFF  }
0x10: {  	s20 =	sld [smem:$0x3FDB];
	_ =	sdelay $0x1  }
0x11: {  	s4 =	simm.s32 $_scs_section_size  }
0x12: {  	s5 =	simm.s32 $_size__tile_overlayer_lowered;
	s6 =	simm.s32 $_tile_overlayer_lowered  }
0x13: {  	s23 =	simm.s32 $0x1BFF;
	s22 =	sshll.u32 s6, $0x1;
	s3 =	sadd.s32 s4, s20  }
0x14: {  	s7 =	simm.s32 $0x0;
	s21 =	sshll.u32 s5, $0x1;
	s5 =	sadd.s32 s22, s3  }
0x15: {  	[timem:s7], [sflag:s23] =	dma.local [hbm:s5], s21  }
0x16: {  	_ =	swait.ge [sflag:s23], s21  }
0x17: {  	s4 =	ssub.s32 $0x0, s21;
	[sflag:s23] =	ssyncset.done $0x0  }
0x18: {  	[sflag:s23] =	ssyncadd.s32 s4;
	_ =	sdelay $0x1  }
0x19: {  	s24 =	simm.s32 $0x1B8B  }
0x1a: {  	_ =	swait.ge [sflag:s24], $0x1  }
0x1b: {  	[sflag:s24] =	ssyncset.done $0x0  }
0x1c: {  	s26 =	simm.s32 $0x1B8E;
	s25 =	sld [smem:$0x3FFE];
	[sflag:s24] =	ssyncadd.s32 $0xFFFFFFFF  }
0x1d: {  	s27 =	simm.s32 $execute0_lowered;
	[smem:$0x3FD2] =	sst s26  }
0x1e: {  	s5 =	sshll.u32 s27, $0x1;
	_ =	strace $0x80000049;
	[dreg:$0x1] =	wrdreg $0xFFFFFFFF  }
0x1f: {  	s28 =	simm.s32 $_size_execute0_lowered;
	s3 =	sadd.s32 s3, s5;
	[dreg:$0x0] =	wrdreg $0x0  }
0x20: {  	s5 =	sshll.u32 s28, $0x1;
	[dreg:$0x2] =	wrdreg s3  }
0x21: {  	[dreg:$0x3] =	wrdreg s5  }
0x22: {  	[dreg:$0x4] =	wrdreg $0xC0  }
0x23: {  	_ =	task [dreg:s7], $0x5FFFF  }
0x24: {  	[dreg:$0x1] =	wrdreg $0xFFFFFFFF  }
0x25: {  	[dreg:$0x0] =	wrdreg $0x60  }
0x26: {  	[dreg:$0x2] =	wrdreg s25  }
0x27: {  	[dreg:$0x3] =	wrdreg s2  }
0x28: {  	[dreg:$0x4] =	wrdreg $0x9  }
0x29: {  	_ =	task.clear_ibuf [dreg:s7], $0x5FFFF;
	_ =	strace $0x90000049  }
0x2a: {  	s29 =	simm.s32 $0x9;
	_ =	strace $0x8000004B  }
0x2b: {  	_ =	swait.ge [sflag:s29], $0x1  }
0x2c: {  	[sflag:s29] =	ssyncadd.s32 $0xFFFFFFFF  }
0x2d: {  	_ =	strace $0x9000004B  }
0x2e: {  	_ =	sfence  }
0x2f: {  	s30 =	sld [smem:$0x0];
	_ =	sdelay $0x2  }
0x30: {  	s31 =	sshll.u32 s1, $0xD;
	s1 =	sshrl.u32 s1, $0x2  }
0x31: {  	s3 =	sand.u32 $0x4000, s31;
	s1 =	sadd.s32 s1, s30  }
0x32: {  	s0 =	sor.u32 s3, s0;
	s1 =	sshll.u32 s1, $0x11  }
0x33: {  	s0 =	sor.u32 s1, s0  }
0x34: {  	s0 =	sadd.s32 $0x8F2B, s0  }
0x35: {  	[sflag:s0] =	ssyncadd.remote.s32 $0x1  }
0x36: {  	_ =	sfence.sel $0xFFFF  }
0x37: {  	[dreg:$0x0] =	wrdreg $0xFFFFFFFF;
	(pc) =	sbr.abs _section_cstart, $3  }
0x38: {  	[dreg:$0x1] =	wrdreg $0xFFFFFFFF  }
0x39: {  	_ =	task.clear_ibuf [dreg:s7], $0x2FFFF;
	_ =	strace $0x9FFFFFFF  }
0x3a: {  	(tm) =	ssettm $0x7FFFFFFF  }
0x3b: {  	_ =	shalt  }
tec
execute0_lowered:
.L_overlay_start_1:
0x0: {  	(tag) =	ssettag $0x1  }
0x1: {  	s0 =	stileid.u32;
	s5 =	rddreg [dreg:$0x0]  }
0x2: {  	s1 =	srdreg.scid;
	s3 =	rddreg [dreg:$0x1];
	s6 =	simm.s32 $0x1  }
0x3: {  	s8 =	simm.s32 $0x2;
	s2 =	sshll.u32 s0, $0x5;
	s1 =	sshll.u32 s1, $0x9  }
0x4: {  	s18 =	simm.s32 $0x0;
	s9 =	simm.s32 $0x2000;
	s1 =	sor.u32 s2, s1  }
0x5: {  	s17 =	simm.s32 $0x0;
	s19 =	simm.s32 $0x0;
	s2 =	sand.u32 $0x380, s1  }
0x6: {  	s10 =	simm.s32 $0x0;
	s11 =	simm.s32 $0x0;
	s4 =	ssub.s32 $0x800, s2  }
0x7: {  	s12 =	simm.s32 $0x0;
	s13 =	simm.s32 $0x0;
	s31 =	sand.u32 $0x380, s4  }
0x8: {  	s16 =	simm.s32 $0x0;
	s7 =	sand.u32 $0x3, s0;
	p0 =	sne.s32 s31, $0x0  }
.Ltmp0:
0x9: {  	s4 =	sshrl.u32 s4, $0xA;
	s6 =	simm.s32 @!p0 $0x0;
	(pc) =	sbr.rel .LBB1_1-.Ltmp0, $4  }
0xa: {  	s1 =	rddreg [dreg:$0x2];
	_ =	strace $0x8000004A;
	s6 =	sadd.s32 s6, s4  }
0xb: {  	s4 =	sadd.s32 $0x800, s5;
	s5 =	simm.s32 $0x1;
	s6 =	smul.u32 $0x21, s6  }
0xc: {  	s15 =	smov.u32 s7;
	s14 =	smov.u32 s2;
	[sflag:s5] =	ssyncpa.u1 $0x0  }
0xd: {  	p0 =	por $0x0, $0x0;
	[sflag:s8] =	ssyncpa.u1 $0x0;
	s8 =	sadd.s32 $0x1, s6  }
.LBB1_4:
0xe: {  	s24 =	sshra.s32 s24, $0x2  }
0xf: {  	s25 =	sshll.u32 s12, $0x7;
	s30 =	sand.u32 $0x78, s11;
	p2 =	sgt.s32 s12, $0x3  }
0x10: {  	s26 =	sshra.s32 s12, $0x1F;
	p1 =	sgt.s32 s10, $0xF81;
	s27 =	sshra.s32 s11, $0x1F  }
0x11: {  	s31 =	sshra.s32 s10, $0x1F;
	s23 =	sadd.s32 s24, s23;
	s25 =	sand.u32 $0x180, s25  }
0x12: {  	s26 =	sand.u32 s26, s12;
	s24 =	sor.u32 s25, s30;
	s25 =	smov.u32 s12  }
0x13: {  	v5 =	vld [tilespmem:s21+$0xFFFFFFD0];
	s27 =	sand.u32 s27, s11;
	s30 =	sshll.u32 s11, $0x2;
	s25 =	simm.s32 @!p2 $0x3  }
0x14: {  	[tilespmem:s22+$0x2040 ss:$0x81] =	vst.msk $0xffff, v4;
	v58 =	vld [tilespmem:s21+$0xFFFFFFE0];
	p2 =	sgt.s32 s11, $0x780;
	s25 =	ssub.s32 s25, s26;
	s26 =	smov.u32 s11  }
0x15: {  	[tilespmem:s22+$0x2850 ss:$0x81] =	vst.msk $0xffff, v3;
	v59 =	vld [tilespmem:s21+$0xFFFFFFF0];
	s28 =	sadd.s32 $0xFFFFFFFD, s25;
	s26 =	simm.s32 @!p2 $0x780;
	s25 =	ssub.s32 $0x4, s25  }
0x16: {  	[tilespmem:s22+$0x3060 ss:$0x81] =	vst.msk $0xffff, v2;
	v60 =	vld [tilespmem:s21+$0x0];
	p2 =	sgt.s32 s28, $0x0;
	s28 =	smov.u32 s10;
	s26 =	ssub.s32 s26, s27  }
0x17: {  	[tilespmem:s22+$0x0 ss:$0x81] =	vst.msk $0xffff, v1;
	v61 =	vld [tilespmem:s21+$0x10];
	s27 =	sand.u32 s31, s10;
	s31 =	sand.u32 $0x600, s30;
	s28 =	simm.s32 @!p1 $0xF81  }
0x18: {  	v62 =	vld [tilespmem:s21+$0x20];
	[tilespmem:s23+$0x3870 ss:$0x81] =	vst.msk $0xffff, v0;
	s25 =	simm.s32 @p2 $0x0;
	s22 =	ssub.s32 s28, s27;
	s28 =	sadd.s32 $0xFFFFF880, s26  }
0x19: {  	v63 =	vld [tilespmem:s21+$0xFFFFFFC0];
	[tilespmem:s23+$0x810 ss:$0x81] =	vst.msk $0xffff, v5;
	s21 =	sor.u32 s31, s24;
	s26 =	ssub.s32 $0x800, s26;
	p1 =	sgt.s32 s28, $0x7F  }
0x1a: {  	[tilespmem:s23+$0x1020 ss:$0x81] =	vst.msk $0xffff, v58;
	s27 =	sshll.u32 s10, $0xA;
	s29 =	sadd.s32 $0xFFFFF07F, s22;
	s26 =	simm.s32 @p1 $0x0  }
0x1b: {  	[tilespmem:s23+$0x1830 ss:$0x81] =	vst.msk $0xffff, v59;
	s22 =	ssub.s32 $0x1001, s22;
	p1 =	sgt.s32 s29, $0x7F;
	s25 =	smul.u32 s25, s26  }
0x1c: {  	[tilespmem:s23+$0x2040 ss:$0x81] =	vst.msk $0xffff, v60;
	s28 =	sshrl.u32 s11, $0x1;
	s24 =	sadd.s32 s3, s27;
	s22 =	simm.s32 @p1 $0x0  }
0x1d: {  	[tilespmem:s23+$0x2850 ss:$0x81] =	vst.msk $0xffff, v61;
	s29 =	sand.u32 $0x7, s11;
	s22 =	smul.u32 s22, s25;
	s25 =	sand.u32 $0x300, s28  }
0x1e: {  	[tilespmem:s23+$0x3060 ss:$0x81] =	vst.msk $0xffff, v62;
	s21 =	sshrl.u32 s21, $0x3;
	s30 =	sshll.u32 s29, $0x12;
	s24 =	sadd.s32 s25, s24  }
0x1f: {  	[tilespmem:s23+$0x0 ss:$0x81] =	vst.msk $0xffff, v63;
	s31 =	sor.u32 $0x80, s30;
	s22 =	sand.u32 $0x3FFFFFFF, s22;
	s21 =	sadd.s32 s21, s24  }
0x20: {  	[hbm4b:s21+s31] =	stream.strided.scatter [tilespmem:s20], [sflag:$0x2], s22, s9, s31, $0x20;
	[tilespmem:$0x10100] =	vst v63  }
.LBB1_5:
0x21: {  	p1 =	slt.u32 s16, $0x2;
	s21 =	smov.u32 s19  }
0x22: {  	p2 =	sgt.s32 @!p1 s18, $0xF81;
	s20 =	sshra.s32 @!p1 s18, $0x1F;
	p3 =	sgt.s32 @!p1 s19, $0x3  }
0x23: {  	s22 =	sshra.s32 @!p1 s19, $0x1F;
	p2 =	por !p2, p1;
	s20 =	sand.u32 @!p1 s20, s18  }
0x24: {  	p3 =	por !p3, p1;
	s19 =	sand.u32 @!p1 s22, s19;
	s22 =	sshra.s32 @!p1 s17, $0x1F  }
0x25: {  	s21 =	simm.s32 @p3 $0x3;
	p3 =	sgt.s32 @!p1 s17, $0x780;
	s18 =	simm.s32 @p2 $0xF81  }
0x26: {  	s19 =	ssub.s32 @!p1 s21, s19;
	p3 =	por !p3, p1;
	s21 =	smov.u32 s17  }
0x27: {  	s17 =	sand.u32 @!p1 s22, s17;
	s18 =	ssub.s32 @!p1 s18, s20;
	s21 =	simm.s32 @p3 $0x780  }
0x28: {  	s20 =	sadd.s32 @!p1 $0xFFFFFFFD, s19;
	s19 =	ssub.s32 @!p1 $0x4, s19;
	s17 =	ssub.s32 @!p1 s21, s17  }
0x29: {  	s21 =	sadd.s32 @!p1 $0xFFFFF07F, s18;
	p2 =	sgt.s32 @!p1 s20, $0x0;
	s20 =	sadd.s32 @!p1 $0xFFFFF880, s17  }
0x2a: {  	s18 =	ssub.s32 @!p1 $0x1001, s18;
	p2 =	por !p2, p1;
	p3 =	sgt.s32 @!p1 s20, $0x7F  }
0x2b: {  	s17 =	ssub.s32 @!p1 $0x800, s17;
	s19 =	simm.s32 @!p2 $0x0;
	p2 =	por !p3, p1  }
0x2c: {  	s20 =	sadd.s32 $0x80, s13;
	p3 =	sgt.s32 @!p1 s21, $0x7F;
	s17 =	simm.s32 @!p2 $0x0  }
0x2d: {  	s21 =	smov.u32 s14;
	p2 =	por !p3, p1;
	s17 =	smul.u32 @!p1 s19, s17  }
0x2e: {  	s18 =	simm.s32 @!p2 $0x0;
	p2 =	sgt.s32 s20, $0x1000;
	s19 =	sadd.s32 $0x400, s14  }
0x2f: {  	s22 =	smov.u32 s15;
	s21 =	smov.u32 @p2 s19  }
0x30: {  	s17 =	smul.u32 @!p1 s18, s17;
	p3 =	sgt.s32 s21, $0x7FF;
	s18 =	sadd.s32 $0x4, s15  }
0x31: {  	p0 =	por !p0, !p0;
	s23 =	simm.s32 @!p1 $0x2;
	s22 =	smov.u32 @p3 s18  }
0x32: {  	s20 =	simm.s32 @p2 $0x0;
	s19 =	smov.u32 s12;
	p2 =	sgt.s32 s22, $0x3  }
0x33: {  	s12 =	smov.u32 s15;
	s22 =	smov.u32 @p2 s7;
	p2 =	sne.s32 s16, s8  }
.Ltmp1:
0x34: {  	s21 =	smov.u32 @p3 s2;
	s18 =	smov.u32 s10;
	(pc) =	sbr.rel @!p2 .LBB1_6-.Ltmp1, $4  }
0x35: {  	s10 =	smov.u32 s13;
	s13 =	smov.u32 s20;
	s17 =	sand.u32 @!p1 $0x3FFFFFFF, s17  }
0x36: {  	_ =	swait.ge @!p1 [sflag:s23], s17;
	s24 =	ssub.s32 @!p1 $0x0, s17;
	s17 =	smov.u32 s11  }
0x37: {  	s16 =	sadd.s32 $0x1, s16;
	s11 =	smov.u32 s14;
	[sflag:s23] =	ssyncset.done @!p1 $0x0  }
0x38: {  	s14 =	smov.u32 s21;
	s15 =	smov.u32 s22;
	[sflag:s23] =	ssyncadd.s32 @!p1 s24  }
.LBB1_1:
0x39: {  	p1 =	sge.u32 s16, s6  }
0x3a: {  	s20 =	sshrl.u32 @!p1 s14, $0x3  }
0x3b: {  	s21 =	sshll.u32 @!p1 s13, $0x3;
	s20 =	smul.u32 @!p1 $0x8400, s20  }
0x3c: {  	s22 =	sshll.u32 @!p1 s14, $0x7;
	s21 =	sand.u32 @!p1 $0xFFFFFC00, s21  }
0x3d: {  	s20 =	sadd.s32 @!p1 s20, s21;
	s21 =	sand.u32 @!p1 $0x380, s22  }
0x3e: {  	s22 =	sand.u32 @!p1 $0x7F, s13;
	s20 =	sor.u32 @!p1 s21, s20  }
0x3f: {  	s21 =	sor.u32 @!p1 s22, s20  }
0x40: {  	s22 =	smulhi.u32 @!p1 $0x3E0F83E1, s21  }
0x41: {  	s20 =	smulhi.u32 @!p1 $0x3E0F83E1, s20  }
0x42: {  	s22 =	sshrl.u32 @!p1 s22, $0xA  }
0x43: {  	s31 =	sadd.s32 $0xFFFFFFFF, s16;
	s20 =	sshrl.u32 @!p1 s20, $0xA;
	s22 =	smul.u32 @!p1 $0x1080, s22  }
0x44: {  	s23 =	sxor.u32 @!p1 $0xFFFFFFFF, s16;
	s24 =	smul.u32 @!p1 $0x108000, s15;
	s20 =	sand.u32 @!p1 $0x7FF, s20  }
0x45: {  	s23 =	sshll.u32 @!p1 s23, $0xE;
	s20 =	smul.u32 @!p1 $0x210, s20;
	s21 =	ssub.s32 @!p1 s21, s22  }
0x46: {  	s22 =	sand.u32 @!p1 $0x4000, s23;
	s23 =	sadd.s32 @!p1 s4, s24;
	s24 =	sand.u32 @!p1 $0x7, s21  }
0x47: {  	s21 =	sshrl.u32 @!p1 s21, $0x3;
	s20 =	sadd.s32 @!p1 s20, s23;
	s23 =	sshll.u32 @!p1 s24, $0x12  }
0x48: {  	s20 =	sadd.s32 @!p1 s21, s20;
	s21 =	sor.u32 @!p1 $0x400, s23;
	s23 =	simm.s32 @!p1 $0x8400  }
0x49: {  	[tilespmem:s22], [sflag:$0x1] =	stream.strided.gather @!p1 [hbm4b:s20+s21], $0x4000, s23, s21, $0x38;
	[tilespmem:$0x10100] =	vst v63  }
0x4a: {  	p1 =	sge.u32 s31, s6  }
.Ltmp2:
0x4b: {  	_ = 	snop;
	(pc) =	sbr.rel @p1 .LBB1_5-.Ltmp2, $1  }
0x4c: {  	_ =	sdelay $0x3  }
0x4d: {  	s20 =	simm.s32 $0x1  }
0x4e: {  	_ =	swait.ge [sflag:s5], $0x4000;
	s20 =	simm.s32 @!p0 $0x0  }
0x4f: {  	[sflag:s5] =	ssyncset.done $0x0;
	s21 =	sshll.u32 s20, $0xE  }
0x50: {  	[sflag:s5] =	ssyncadd.s32 $0xFFFFC000;
	s21 =	sor.u32 $0x40, s21  }
0x51: {  	s20 =	smul.u32 $0x10200, s20;
	v0 =	vld [tilespmem:s21+$0x30]  }
0x52: {  	v1 =	vld [tilespmem:s21+$0xFFFFFFD0]  }
0x53: {  	s20 =	sshrl.u32 s20, $0x2;
	v5 =	vld [tilespmem:s21+$0xFFFFFFE0]  }
0x54: {  	v6 =	vld [tilespmem:s21+$0xFFFFFFF0];
	s23 =	sor.u32 $0x8000, s20  }
0x55: {  	s31 =	sand.u32 $0x1, s16;
	v4 =	vld [tilespmem:s21+$0x0];
	s22 =	sadd.s32 $0x0, s23  }
0x56: {  	v3 =	vld [tilespmem:s21+$0x10];
	s20 =	smul.u32 $0x10200, s31;
	[tilespmem:s22+$0x3870 ss:$0x81] =	vst.msk $0xffff, v0  }
0x57: {  	v2 =	vld [tilespmem:s21+$0x20];
	[tilespmem:s22+$0x810 ss:$0x81] =	vst.msk $0xffff, v1  }
0x58: {  	s20 =	sshrl.u32 s20, $0x2;
	v1 =	vld [tilespmem:s21+$0xFFFFFFC0];
	[tilespmem:s22+$0x1020 ss:$0x81] =	vst.msk $0xffff, v5;
	s21 =	sadd.s32 $0x80, s21  }
0x59: {  	s24 =	simm.s32 $0x4;
	s25 =	simm.s32 $0x8;
	s20 =	sor.u32 $0x8000, s20;
	[tilespmem:s22+$0x1830 ss:$0x81] =	vst.msk $0xffff, v6;
	v0 =	vld [tilespmem:s21+$0x30]  }
.LBB1_3:
0x5a: {  	p1 =	sne.s32 s25, $0x1FC;
	v5 =	vld [tilespmem:s21+$0xFFFFFFD0];
	[tilespmem:s22+$0x2040 ss:$0x81] =	vst.msk $0xffff, v4  }
0x5b: {  	v6 =	vld [tilespmem:s21+$0xFFFFFFE0];
	[tilespmem:s22+$0x2850 ss:$0x81] =	vst.msk $0xffff, v3  }
0x5c: {  	s26 =	sshra.s32 s24, $0x2;
	s24 =	smov.u32 s25;
	v7 =	vld [tilespmem:s21+$0xFFFFFFF0];
	[tilespmem:s22+$0x3060 ss:$0x81] =	vst.msk $0xffff, v2  }
.Ltmp3:
0x5d: {  	v4 =	vld [tilespmem:s21+$0x0];
	[tilespmem:s22+$0x0 ss:$0x81] =	vst.msk $0xffff, v1;
	s22 =	sadd.s32 s26, s23;
	(pc) =	sbr.rel @p1 .LBB1_3-.Ltmp3, $4  }
0x5e: {  	v3 =	vld [tilespmem:s21+$0x10];
	[tilespmem:s22+$0x3870 ss:$0x81] =	vst.msk $0xffff, v0  }
0x5f: {  	[tilespmem:s22+$0x810 ss:$0x81] =	vst.msk $0xffff, v5;
	v2 =	vld [tilespmem:s21+$0x20]  }
0x60: {  	v1 =	vld [tilespmem:s21+$0xFFFFFFC0];
	[tilespmem:s22+$0x1020 ss:$0x81] =	vst.msk $0xffff, v6;
	s21 =	sadd.s32 $0x80, s21  }
0x61: {  	s25 =	sadd.s32 $0x4, s25;
	v0 =	vld [tilespmem:s21+$0x30];
	[tilespmem:s22+$0x1830 ss:$0x81] =	vst.msk $0xffff, v7  }
.Ltmp4:
0x62: {  	_ = 	snop;
	(pc) =	sbr.rel .LBB1_4-.Ltmp4, $1  }
0x63: {  	_ =	sdelay $0x3  }
.LBB1_6:
0x64: {  	_ =	sfence.sel $0x180000  }
0x65: {  	s2 =	simm.s32 $0x1;
	[bflag:$0x0] =	sbarrier.arrive $0xFFFF  }
0x66: {  	s31 =	simm.s32 $0x2;
	[sflag:s2] =	ssyncpa.u1 $0x1  }
0x67: {  	[sflag:s31] =	ssyncpa.u1 $0x1  }
0x68: {  	p0 =	sne.s32 s0, $0x0;
	_ =	strace $0x9000004A  }
0x69: {  	s0 =	sadd.s32 @!p0 $0x100000, s1;
	[bflag:$0x2] =	sbarrier.arrive $0xFFFF  }
0x6a: {  	[sflag:s0] =	ssyncadd.tile.s32 @!p0 $0x1;
	_ =	shalt  }
.Lfunc_end1:
_tile_overlayer_lowered:
.L_overlay_start_2:
0x6b: {  	(tag) =	ssettag $0x2  }
0x6c: {  	s0 =	rddreg [dreg:$0x0];
	s2 =	stileid.u32  }
0x6d: {  	s1 =	rddreg [dreg:$0x1];
	p0 =	sne.s32 s2, $0x0  }
0x6e: {  	s3 =	rddreg [dreg:$0x2];
	[bflag:$0x3] =	sbarrier.arrive $0xFFFF;
	s2 =	simm.s32 @!p0 $0x1C01  }
0x6f: {  	[timem:s3], [sflag:s2] =	dma.local @!p0 [hbm:s0], s1  }
0x70: {  	s0 =	simm.s32 @!p0 $0x1  }
0x71: {  	_ =	swait.ge @!p0 [sflag:s0], s1  }
0x72: {  	s1 =	ssub.s32 @!p0 $0x0, s1;
	[sflag:s0] =	ssyncset.done @!p0 $0x0  }
0x73: {  	[sflag:s0] =	ssyncadd.s32 @!p0 s1  }
0x74: {  	[bflag:$0x3] =	sbarrier.arrive $0xFFFF  }
0x75: {  	_ =	shalt  }

</sc_bundles>
